<compile_context>
chip_gen: v7x
topology: tpu7x:2x2x1
jax: 0.10.2.dev20260603
libtpu: 0.0.44.dev20260713+nightly
codegen_flags: <defaults>
</compile_context>

<pallas_src>
import jax
import jax.numpy as jnp
from jax import lax
from jax.experimental import pallas as pl
from jax.experimental.pallas import tpu as pltpu
from jax.experimental.pallas import tpu_sc as plsc

B, C, N, D = 8, 16, 256, 256
E = 768
K = 4096
T = B * C * N
TM = 256
KT = 512

NC, NS = 2, 16
NW = NC * NS
TW = T // NW
CH = 16
NBUF = 4


def _prep_body(cb_ref, wout_ref, bout_ref, cbb_ref, cn_ref, cbw_ref):
    c = cb_ref[...]
    cbb_ref[...] = c.astype(jnp.bfloat16)
    cn_ref[...] = jnp.sum(c * c, axis=1, keepdims=True)
    cbw = lax.dot_general(c.astype(jnp.bfloat16),
                          wout_ref[...].astype(jnp.bfloat16),
                          (((1,), (1,)), ((), ())),
                          preferred_element_type=jnp.float32)
    cbw_ref[...] = cbw + bout_ref[...]


def _vq_body(x_ref, win_ref, bin_ref, cbb_ref, cn_ref,
             idx_ref, aux_ref, acc_ref):
    i = pl.program_id(0)
    xb = x_ref[...].astype(jnp.bfloat16)
    wb = win_ref[...].astype(jnp.bfloat16)
    proj = lax.dot_general(xb, wb, (((1,), (1,)), ((), ())),
                           preferred_element_type=jnp.float32)
    proj = proj + bin_ref[...]
    a = jnp.sum(proj * proj, axis=1, keepdims=True)
    fb2 = (proj + proj).astype(jnp.bfloat16)
    KC = K // 4
    bv = None
    bi = None
    for j in range(4):
        mm2 = lax.dot_general(fb2, cbb_ref[pl.ds(j * KC, KC), :],
                              (((1,), (1,)), ((), ())),
                              preferred_element_type=jnp.float32)
        d2 = (a - mm2) + cn_ref[:, pl.ds(j * KC, KC)]
        m = jnp.min(d2, axis=1, keepdims=True)
        cols = lax.broadcasted_iota(jnp.int32, (TM, KC), 1) + (j * KC)
        ii = jnp.min(jnp.where(d2 == m, cols, K), axis=1, keepdims=True)
        if j == 0:
            bv, bi = m, ii
        else:
            take = m < bv
            bi = jnp.where(take, ii, bi)
            bv = jnp.minimum(bv, m)
    idx_ref[...] = bi

    @pl.when(i == 0)
    def _():
        acc_ref[0] = 0.0

    acc_ref[0] += jnp.sum(bv)

    @pl.when(i == pl.num_programs(0) - 1)
    def _():
        aux_ref[...] = jnp.full((1, 1), acc_ref[0] * (1.0 / (T * E)),
                                dtype=jnp.float32)


def _gather2_body(idx_hbm, cb_hbm, cbw_hbm, q_hbm, o_hbm,
                  idx_v, q0, q1, q2, q3, o0, o1, o2, o3,
                  sq0, sq1, sq2, sq3, so0, so1, so2, so3):
    wid = lax.axis_index("s") * NC + lax.axis_index("c")
    base = wid * TW
    pltpu.sync_copy(idx_hbm.at[pl.ds(base, TW)], idx_v)
    qb, ob = (q0, q1, q2, q3), (o0, o1, o2, o3)
    sq, so = (sq0, sq1, sq2, sq3), (so0, so1, so2, so3)

    def body(g, carry):
        c = g * (NBUF * CH)
        descs = []
        for k in range(NBUF):
            ic = idx_v.at[pl.ds(c + k * CH, CH)]
            descs.append((pltpu.async_copy(cb_hbm.at[ic], qb[k], sq[k]),
                          pltpu.async_copy(cbw_hbm.at[ic], ob[k], so[k])))
        for k in range(NBUF):
            d1, d2 = descs[k]
            d1.wait()
            d2.wait()
            off = base + c + k * CH
            pltpu.sync_copy(qb[k], q_hbm.at[pl.ds(off, CH)])
            pltpu.sync_copy(ob[k], o_hbm.at[pl.ds(off, CH)])
        return carry

    lax.fori_loop(0, TW // (NBUF * CH), body, 0)


def kernel(x, W_in, b_in, W_out, b_out, codebook):
    x2d = x.reshape(T, D)
    bin2d = b_in.reshape(1, E)
    bout2d = b_out.reshape(1, D)

    cbb, cn_col, cbw = pl.pallas_call(
        _prep_body,
        grid=(K // KT,),
        in_specs=[
            pl.BlockSpec((KT, E), lambda i: (i, 0)),
            pl.BlockSpec((D, E), lambda i: (0, 0)),
            pl.BlockSpec((1, D), lambda i: (0, 0)),
        ],
        out_specs=[
            pl.BlockSpec((KT, E), lambda i: (i, 0)),
            pl.BlockSpec((KT, 1), lambda i: (i, 0)),
            pl.BlockSpec((KT, D), lambda i: (i, 0)),
        ],
        out_shape=[
            jax.ShapeDtypeStruct((K, E), jnp.bfloat16),
            jax.ShapeDtypeStruct((K, 1), jnp.float32),
            jax.ShapeDtypeStruct((K, D), jnp.float32),
        ],
    )(codebook, W_out, bout2d)

    cn_row = cn_col.reshape(1, K)

    idx2d, aux = pl.pallas_call(
        _vq_body,
        grid=(T // TM,),
        in_specs=[
            pl.BlockSpec((TM, D), lambda i: (i, 0)),
            pl.BlockSpec((E, D), lambda i: (0, 0)),
            pl.BlockSpec((1, E), lambda i: (0, 0)),
            pl.BlockSpec((K, E), lambda i: (0, 0)),
            pl.BlockSpec((1, K), lambda i: (0, 0)),
        ],
        out_specs=[
            pl.BlockSpec((TM, 1), lambda i: (i, 0)),
            pl.BlockSpec((1, 1), lambda i: (0, 0)),
        ],
        out_shape=[
            jax.ShapeDtypeStruct((T, 1), jnp.int32),
            jax.ShapeDtypeStruct((1, 1), jnp.float32),
        ],
        scratch_shapes=[pltpu.SMEM((1,), jnp.float32)],
        compiler_params=pltpu.CompilerParams(
            dimension_semantics=("arbitrary",),
        ),
    )(x2d, W_in, bin2d, cbb, cn_row)

    idx1d = idx2d.reshape(T)

    gather2 = pl.kernel(
        _gather2_body,
        out_type=[
            jax.ShapeDtypeStruct((T, E), jnp.float32),
            jax.ShapeDtypeStruct((T, D), jnp.float32),
        ],
        mesh=plsc.VectorSubcoreMesh(
            core_axis_name="c", subcore_axis_name="s",
            num_cores=NC, num_subcores=NS,
        ),
        scratch_types=(
            [pltpu.VMEM((TW,), jnp.int32)]
            + [pltpu.VMEM((CH, E), jnp.float32) for _ in range(NBUF)]
            + [pltpu.VMEM((CH, D), jnp.float32) for _ in range(NBUF)]
            + [pltpu.SemaphoreType.DMA for _ in range(2 * NBUF)]
        ),
    )
    quant2d, out2d = gather2(idx1d, codebook, cbw)

    out = out2d.reshape(B, C, N, D)
    indices = idx1d.reshape(B, C * N)
    quantized = quant2d.reshape(B, C, N, E)
    aux_loss = aux.reshape(())
    return out, indices, quantized, aux_loss

# --- scband reference (transcript-rebuilt; emitter-appended) ---
"""Pipeline reference for scband-llmembedding-vq-3753801417215 (READ-ONLY COPY).

The authoritative reference and input builder live on the scoring server;
editing this copy changes nothing except your own understanding.
"""

import jax, jax.numpy as jnp
import numpy as np

B, C, N, D = 8, 16, 256, 256
E = 768
K = 4096

def setup_inputs(seed: int = 0) -> dict:
    key = jax.random.key(seed)
    ks = jax.random.split(key, 6)
    x = jax.random.normal(ks[0], (B, C, N, D), dtype=jnp.float32)
    W_in = jax.random.normal(ks[1], (E, D), dtype=jnp.float32) * (1.0 / np.sqrt(D))
    b_in = jnp.zeros((E,), dtype=jnp.float32)
    W_out = jax.random.normal(ks[2], (D, E), dtype=jnp.float32) * (1.0 / np.sqrt(E))
    b_out = jnp.zeros((D,), dtype=jnp.float32)
    # frozen LLM-embedding codebook (set via set_llm_embedding_bank in torch)
    codebook = jax.random.normal(ks[3], (K, E), dtype=jnp.float32)
    return {"x": x, "W_in": W_in, "b_in": b_in, "W_out": W_out, "b_out": b_out, "codebook": codebook}


def reference(x, W_in, b_in, W_out, b_out, codebook):
    Bb, Cc, Nn, Dd = x.shape
    # input_proj
    proj = jnp.einsum('bcnd,ed->bcne', x, W_in) + b_in
    flat = proj.reshape(Bb, Cc * Nn, -1)  # [B, C*N, E]
    # euclidean nearest-neighbor quantization against frozen codebook
    d2 = (jnp.sum(flat * flat, axis=-1, keepdims=True)
          - 2.0 * jnp.einsum('bte,ke->btk', flat, codebook)
          + jnp.sum(codebook * codebook, axis=-1))
    indices = jnp.argmin(d2, axis=-1)  # [B, C*N]
    quantized = jnp.take(codebook, indices, axis=0)  # [B, C*N, E]
    # commitment loss (commitment_weight = 1.0; codebook frozen)
    aux_loss = jnp.mean((jax.lax.stop_gradient(quantized) - flat) ** 2)
    # straight-through estimator (stand-in for rotation trick gradient path)
    q_st = flat + jax.lax.stop_gradient(quantized - flat)
    # out_proj
    out = jnp.einsum('bte,de->btd', q_st, W_out) + b_out
    out = out.reshape(Bb, Cc, Nn, -1)
    return out, indices, quantized.reshape(Bb, Cc, Nn, -1), aux_loss

if __name__ == "__main__":
    import jax
    _d = setup_inputs()
    print(jax.jit(kernel)(*tuple(_d.values())))

</pallas_src>

<mosaic_0001>
#map = affine_map<(d0, d1) -> (0)>
#map1 = affine_map<(d0, d1) -> (0, 0)>
module attributes {stable_mosaic.version = 14 : i64} {
  func.func @_gather2_body(%arg0: i32, %arg1: i32, %arg2: memref<32768xi32, #tpu.memory_space<hbm>>, %arg3: memref<4096x768xf32, #tpu.memory_space<hbm>>, %arg4: memref<4096x256xf32, #tpu.memory_space<hbm>>, %arg5: memref<32768x768xf32, #tpu.memory_space<hbm>>, %arg6: memref<32768x256xf32, #tpu.memory_space<hbm>>, %arg7: memref<1024xi32, #tpu.memory_space<vmem>>, %arg8: memref<16x768xf32, #tpu.memory_space<vmem>>, %arg9: memref<16x768xf32, #tpu.memory_space<vmem>>, %arg10: memref<16x768xf32, #tpu.memory_space<vmem>>, %arg11: memref<16x768xf32, #tpu.memory_space<vmem>>, %arg12: memref<16x256xf32, #tpu.memory_space<vmem>>, %arg13: memref<16x256xf32, #tpu.memory_space<vmem>>, %arg14: memref<16x256xf32, #tpu.memory_space<vmem>>, %arg15: memref<16x256xf32, #tpu.memory_space<vmem>>, %arg16: memref<!tpu.dma_semaphore, #tpu.memory_space<semaphore_mem>>, %arg17: memref<!tpu.dma_semaphore, #tpu.memory_space<semaphore_mem>>, %arg18: memref<!tpu.dma_semaphore, #tpu.memory_space<semaphore_mem>>, %arg19: memref<!tpu.dma_semaphore, #tpu.memory_space<semaphore_mem>>, %arg20: memref<!tpu.dma_semaphore, #tpu.memory_space<semaphore_mem>>, %arg21: memref<!tpu.dma_semaphore, #tpu.memory_space<semaphore_mem>>, %arg22: memref<!tpu.dma_semaphore, #tpu.memory_space<semaphore_mem>>, %arg23: memref<!tpu.dma_semaphore, #tpu.memory_space<semaphore_mem>>) attributes {dimension_semantics = [#tpu.dimension_semantics<core_parallel>, #tpu.dimension_semantics<subcore_parallel>], iteration_bounds = array<i64: 2, 16>, scalar_prefetch = 0 : i64, scratch_operands = 17 : i64, tpu.core_type = #tpu.core_type<sc_vector_subcore>, window_params = [{transform_indices = #map}, {transform_indices = #map1}, {transform_indices = #map1}, {transform_indices = #map1}, {transform_indices = #map1}]} {
    %mul3A = arith.constant 2 : i32
    %mul3A_0 = arith.muli %arg1, %mul3A : i32
    %add3A = arith.addi %mul3A_0, %arg0 : i32
    %mul3A_1 = arith.constant 1024 : i32
    %mul3A_2 = arith.muli %add3A, %mul3A_1 : i32
    "tpu.region"() ({
      %run_scoped3A = tpu.sem_alloc : memref<!tpu.dma_semaphore, #tpu.memory_space<semaphore_mem>>
      %dma_start3A = tpu.memref_slice %arg2[%mul3A_2] : memref<32768xi32, #tpu.memory_space<hbm>> -> memref<1024xi32, #tpu.memory_space<hbm>>
      %dma_start3A_8 = tpu.memref_slice %arg2[%mul3A_2] : memref<32768xi32, #tpu.memory_space<hbm>> -> memref<1024xi32, #tpu.memory_space<hbm>>
      tpu.enqueue_dma source(%dma_start3A_8 : memref<1024xi32, #tpu.memory_space<hbm>>) target(%arg7 : memref<1024xi32, #tpu.memory_space<vmem>>) target_semaphore(%run_scoped3A : memref<!tpu.dma_semaphore, #tpu.memory_space<semaphore_mem>>)
      %dma_wait3A = tpu.memref_slice %arg2[%mul3A_2] : memref<32768xi32, #tpu.memory_space<hbm>> -> memref<1024xi32, #tpu.memory_space<hbm>>
      %dma_wait3A_9 = tpu.memref_slice %arg2[%mul3A_2] : memref<32768xi32, #tpu.memory_space<hbm>> -> memref<1024xi32, #tpu.memory_space<hbm>>
      tpu.wait_dma2 semaphore(%run_scoped3A : memref<!tpu.dma_semaphore, #tpu.memory_space<semaphore_mem>>) src(%dma_wait3A_9 : memref<1024xi32, #tpu.memory_space<hbm>>) dst(%arg7 : memref<1024xi32, #tpu.memory_space<vmem>>)
      tpu.yield
    }) : () -> ()
    %scan3A = arith.constant 0 : i32
    %scan3A_3 = arith.constant 0 : i32
    %scan3A_4 = arith.constant 16 : i32
    %scan3A_5 = arith.addi %scan3A_3, %scan3A_4 : i32
    %scan3A_6 = arith.constant 1 : i32
    scf.for %scan3A_8 = %scan3A_3 to %scan3A_5 step %scan3A_6  : i32 {
      %mul3A_9 = arith.constant 64 : i32
      %mul3A_10 = arith.muli %scan3A_8, %mul3A_9 : i32
      %add3A_11 = arith.constant 0 : i32
      %add3A_12 = arith.addi %mul3A_10, %add3A_11 : i32
      %dma_start3A = tpu.memref_slice %arg7[%add3A_12] : memref<1024xi32, #tpu.memory_space<vmem>> -> memref<16xi32, #tpu.memory_space<vmem>>
      %dma_start3A_13 = arith.constant 0 : i32
      %dma_start3A_14 = arith.constant 0 : i32
      %dma_start3A_15 = tpu.memref_slice %arg3[%dma_start3A_13, %dma_start3A_14] : memref<4096x768xf32, #tpu.memory_space<hbm>> -> memref<4096x768xf32, #tpu.memory_space<hbm>>
      tpu.enqueue_indirect_dma source(%dma_start3A_15 : memref<4096x768xf32, #tpu.memory_space<hbm>>) target(%arg8 : memref<16x768xf32, #tpu.memory_space<vmem>>) offsets(%dma_start3A : memref<16xi32, #tpu.memory_space<vmem>>) semaphore(%arg16 : memref<!tpu.dma_semaphore, #tpu.memory_space<semaphore_mem>>)
      %dma_start3A_16 = tpu.memref_slice %arg7[%add3A_12] : memref<1024xi32, #tpu.memory_space<vmem>> -> memref<16xi32, #tpu.memory_space<vmem>>
      %dma_start3A_17 = arith.constant 0 : i32
      %dma_start3A_18 = arith.constant 0 : i32
      %dma_start3A_19 = tpu.memref_slice %arg4[%dma_start3A_17, %dma_start3A_18] : memref<4096x256xf32, #tpu.memory_space<hbm>> -> memref<4096x256xf32, #tpu.memory_space<hbm>>
      tpu.enqueue_indirect_dma source(%dma_start3A_19 : memref<4096x256xf32, #tpu.memory_space<hbm>>) target(%arg12 : memref<16x256xf32, #tpu.memory_space<vmem>>) offsets(%dma_start3A_16 : memref<16xi32, #tpu.memory_space<vmem>>) semaphore(%arg20 : memref<!tpu.dma_semaphore, #tpu.memory_space<semaphore_mem>>)
      %add3A_20 = arith.constant 16 : i32
      %add3A_21 = arith.addi %mul3A_10, %add3A_20 : i32
      %dma_start3A_22 = tpu.memref_slice %arg7[%add3A_21] : memref<1024xi32, #tpu.memory_space<vmem>> -> memref<16xi32, #tpu.memory_space<vmem>>
      %dma_start3A_23 = arith.constant 0 : i32
      %dma_start3A_24 = arith.constant 0 : i32
      %dma_start3A_25 = tpu.memref_slice %arg3[%dma_start3A_23, %dma_start3A_24] : memref<4096x768xf32, #tpu.memory_space<hbm>> -> memref<4096x768xf32, #tpu.memory_space<hbm>>
      tpu.enqueue_indirect_dma source(%dma_start3A_25 : memref<4096x768xf32, #tpu.memory_space<hbm>>) target(%arg9 : memref<16x768xf32, #tpu.memory_space<vmem>>) offsets(%dma_start3A_22 : memref<16xi32, #tpu.memory_space<vmem>>) semaphore(%arg17 : memref<!tpu.dma_semaphore, #tpu.memory_space<semaphore_mem>>)
      %dma_start3A_26 = tpu.memref_slice %arg7[%add3A_21] : memref<1024xi32, #tpu.memory_space<vmem>> -> memref<16xi32, #tpu.memory_space<vmem>>
      %dma_start3A_27 = arith.constant 0 : i32
      %dma_start3A_28 = arith.constant 0 : i32
      %dma_start3A_29 = tpu.memref_slice %arg4[%dma_start3A_27, %dma_start3A_28] : memref<4096x256xf32, #tpu.memory_space<hbm>> -> memref<4096x256xf32, #tpu.memory_space<hbm>>
      tpu.enqueue_indirect_dma source(%dma_start3A_29 : memref<4096x256xf32, #tpu.memory_space<hbm>>) target(%arg13 : memref<16x256xf32, #tpu.memory_space<vmem>>) offsets(%dma_start3A_26 : memref<16xi32, #tpu.memory_space<vmem>>) semaphore(%arg21 : memref<!tpu.dma_semaphore, #tpu.memory_space<semaphore_mem>>)
      %add3A_30 = arith.constant 32 : i32
      %add3A_31 = arith.addi %mul3A_10, %add3A_30 : i32
      %dma_start3A_32 = tpu.memref_slice %arg7[%add3A_31] : memref<1024xi32, #tpu.memory_space<vmem>> -> memref<16xi32, #tpu.memory_space<vmem>>
      %dma_start3A_33 = arith.constant 0 : i32
      %dma_start3A_34 = arith.constant 0 : i32
      %dma_start3A_35 = tpu.memref_slice %arg3[%dma_start3A_33, %dma_start3A_34] : memref<4096x768xf32, #tpu.memory_space<hbm>> -> memref<4096x768xf32, #tpu.memory_space<hbm>>
      tpu.enqueue_indirect_dma source(%dma_start3A_35 : memref<4096x768xf32, #tpu.memory_space<hbm>>) target(%arg10 : memref<16x768xf32, #tpu.memory_space<vmem>>) offsets(%dma_start3A_32 : memref<16xi32, #tpu.memory_space<vmem>>) semaphore(%arg18 : memref<!tpu.dma_semaphore, #tpu.memory_space<semaphore_mem>>)
      %dma_start3A_36 = tpu.memref_slice %arg7[%add3A_31] : memref<1024xi32, #tpu.memory_space<vmem>> -> memref<16xi32, #tpu.memory_space<vmem>>
      %dma_start3A_37 = arith.constant 0 : i32
      %dma_start3A_38 = arith.constant 0 : i32
      %dma_start3A_39 = tpu.memref_slice %arg4[%dma_start3A_37, %dma_start3A_38] : memref<4096x256xf32, #tpu.memory_space<hbm>> -> memref<4096x256xf32, #tpu.memory_space<hbm>>
      tpu.enqueue_indirect_dma source(%dma_start3A_39 : memref<4096x256xf32, #tpu.memory_space<hbm>>) target(%arg14 : memref<16x256xf32, #tpu.memory_space<vmem>>) offsets(%dma_start3A_36 : memref<16xi32, #tpu.memory_space<vmem>>) semaphore(%arg22 : memref<!tpu.dma_semaphore, #tpu.memory_space<semaphore_mem>>)
      %add3A_40 = arith.constant 48 : i32
      %add3A_41 = arith.addi %mul3A_10, %add3A_40 : i32
      %dma_start3A_42 = tpu.memref_slice %arg7[%add3A_41] : memref<1024xi32, #tpu.memory_space<vmem>> -> memref<16xi32, #tpu.memory_space<vmem>>
      %dma_start3A_43 = arith.constant 0 : i32
      %dma_start3A_44 = arith.constant 0 : i32
      %dma_start3A_45 = tpu.memref_slice %arg3[%dma_start3A_43, %dma_start3A_44] : memref<4096x768xf32, #tpu.memory_space<hbm>> -> memref<4096x768xf32, #tpu.memory_space<hbm>>
      tpu.enqueue_indirect_dma source(%dma_start3A_45 : memref<4096x768xf32, #tpu.memory_space<hbm>>) target(%arg11 : memref<16x768xf32, #tpu.memory_space<vmem>>) offsets(%dma_start3A_42 : memref<16xi32, #tpu.memory_space<vmem>>) semaphore(%arg19 : memref<!tpu.dma_semaphore, #tpu.memory_space<semaphore_mem>>)
      %dma_start3A_46 = tpu.memref_slice %arg7[%add3A_41] : memref<1024xi32, #tpu.memory_space<vmem>> -> memref<16xi32, #tpu.memory_space<vmem>>
      %dma_start3A_47 = arith.constant 0 : i32
      %dma_start3A_48 = arith.constant 0 : i32
      %dma_start3A_49 = tpu.memref_slice %arg4[%dma_start3A_47, %dma_start3A_48] : memref<4096x256xf32, #tpu.memory_space<hbm>> -> memref<4096x256xf32, #tpu.memory_space<hbm>>
      tpu.enqueue_indirect_dma source(%dma_start3A_49 : memref<4096x256xf32, #tpu.memory_space<hbm>>) target(%arg15 : memref<16x256xf32, #tpu.memory_space<vmem>>) offsets(%dma_start3A_46 : memref<16xi32, #tpu.memory_space<vmem>>) semaphore(%arg23 : memref<!tpu.dma_semaphore, #tpu.memory_space<semaphore_mem>>)
      %dma_wait3A = tpu.memref_slice %arg7[%add3A_12] : memref<1024xi32, #tpu.memory_space<vmem>> -> memref<16xi32, #tpu.memory_space<vmem>>
      %dma_wait3A_50 = arith.constant 0 : i32
      %dma_wait3A_51 = arith.constant 0 : i32
      %dma_wait3A_52 = tpu.memref_slice %arg3[%dma_wait3A_50, %dma_wait3A_51] : memref<4096x768xf32, #tpu.memory_space<hbm>> -> memref<4096x768xf32, #tpu.memory_space<hbm>>
      tpu.wait_indirect_dma semaphore(%arg16 : memref<!tpu.dma_semaphore, #tpu.memory_space<semaphore_mem>>) src(%dma_wait3A_52 : memref<4096x768xf32, #tpu.memory_space<hbm>>) dst(%arg8 : memref<16x768xf32, #tpu.memory_space<vmem>>)
      %dma_wait3A_53 = tpu.memref_slice %arg7[%add3A_12] : memref<1024xi32, #tpu.memory_space<vmem>> -> memref<16xi32, #tpu.memory_space<vmem>>
      %dma_wait3A_54 = arith.constant 0 : i32
      %dma_wait3A_55 = arith.constant 0 : i32
      %dma_wait3A_56 = tpu.memref_slice %arg4[%dma_wait3A_54, %dma_wait3A_55] : memref<4096x256xf32, #tpu.memory_space<hbm>> -> memref<4096x256xf32, #tpu.memory_space<hbm>>
      tpu.wait_indirect_dma semaphore(%arg20 : memref<!tpu.dma_semaphore, #tpu.memory_space<semaphore_mem>>) src(%dma_wait3A_56 : memref<4096x256xf32, #tpu.memory_space<hbm>>) dst(%arg12 : memref<16x256xf32, #tpu.memory_space<vmem>>)
      %add3A_57 = arith.addi %mul3A_2, %mul3A_10 : i32
      %add3A_58 = arith.constant 0 : i32
      %add3A_59 = arith.addi %add3A_57, %add3A_58 : i32
      "tpu.region"() ({
        %run_scoped3A = tpu.sem_alloc : memref<!tpu.dma_semaphore, #tpu.memory_space<semaphore_mem>>
        %dma_start3A_93 = arith.constant 0 : i32
        %dma_start3A_94 = tpu.memref_slice %arg5[%add3A_59, %dma_start3A_93] : memref<32768x768xf32, #tpu.memory_space<hbm>> -> memref<16x768xf32, #tpu.memory_space<hbm>>
        %dma_start3A_95 = arith.constant 0 : i32
        %dma_start3A_96 = tpu.memref_slice %arg5[%add3A_59, %dma_start3A_95] : memref<32768x768xf32, #tpu.memory_space<hbm>> -> memref<16x768xf32, #tpu.memory_space<hbm>>
        tpu.enqueue_dma source(%arg8 : memref<16x768xf32, #tpu.memory_space<vmem>>) target(%dma_start3A_96 : memref<16x768xf32, #tpu.memory_space<hbm>>) target_semaphore(%run_scoped3A : memref<!tpu.dma_semaphore, #tpu.memory_space<semaphore_mem>>)
        %dma_wait3A_97 = arith.constant 0 : i32
        %dma_wait3A_98 = tpu.memref_slice %arg5[%add3A_59, %dma_wait3A_97] : memref<32768x768xf32, #tpu.memory_space<hbm>> -> memref<16x768xf32, #tpu.memory_space<hbm>>
        %dma_wait3A_99 = arith.constant 0 : i32
        %dma_wait3A_100 = tpu.memref_slice %arg5[%add3A_59, %dma_wait3A_99] : memref<32768x768xf32, #tpu.memory_space<hbm>> -> memref<16x768xf32, #tpu.memory_space<hbm>>
        tpu.wait_dma2 semaphore(%run_scoped3A : memref<!tpu.dma_semaphore, #tpu.memory_space<semaphore_mem>>) src(%arg8 : memref<16x768xf32, #tpu.memory_space<vmem>>) dst(%dma_wait3A_100 : memref<16x768xf32, #tpu.memory_space<hbm>>)
        tpu.yield
      }) : () -> ()
      "tpu.region"() ({
        %run_scoped3A = tpu.sem_alloc : memref<!tpu.dma_semaphore, #tpu.memory_space<semaphore_mem>>
        %dma_start3A_93 = arith.constant 0 : i32
        %dma_start3A_94 = tpu.memref_slice %arg6[%add3A_59, %dma_start3A_93] : memref<32768x256xf32, #tpu.memory_space<hbm>> -> memref<16x256xf32, #tpu.memory_space<hbm>>
        %dma_start3A_95 = arith.constant 0 : i32
        %dma_start3A_96 = tpu.memref_slice %arg6[%add3A_59, %dma_start3A_95] : memref<32768x256xf32, #tpu.memory_space<hbm>> -> memref<16x256xf32, #tpu.memory_space<hbm>>
        tpu.enqueue_dma source(%arg12 : memref<16x256xf32, #tpu.memory_space<vmem>>) target(%dma_start3A_96 : memref<16x256xf32, #tpu.memory_space<hbm>>) target_semaphore(%run_scoped3A : memref<!tpu.dma_semaphore, #tpu.memory_space<semaphore_mem>>)
        %dma_wait3A_97 = arith.constant 0 : i32
        %dma_wait3A_98 = tpu.memref_slice %arg6[%add3A_59, %dma_wait3A_97] : memref<32768x256xf32, #tpu.memory_space<hbm>> -> memref<16x256xf32, #tpu.memory_space<hbm>>
        %dma_wait3A_99 = arith.constant 0 : i32
        %dma_wait3A_100 = tpu.memref_slice %arg6[%add3A_59, %dma_wait3A_99] : memref<32768x256xf32, #tpu.memory_space<hbm>> -> memref<16x256xf32, #tpu.memory_space<hbm>>
        tpu.wait_dma2 semaphore(%run_scoped3A : memref<!tpu.dma_semaphore, #tpu.memory_space<semaphore_mem>>) src(%arg12 : memref<16x256xf32, #tpu.memory_space<vmem>>) dst(%dma_wait3A_100 : memref<16x256xf32, #tpu.memory_space<hbm>>)
        tpu.yield
      }) : () -> ()
      %dma_wait3A_60 = tpu.memref_slice %arg7[%add3A_21] : memref<1024xi32, #tpu.memory_space<vmem>> -> memref<16xi32, #tpu.memory_space<vmem>>
      %dma_wait3A_61 = arith.constant 0 : i32
      %dma_wait3A_62 = arith.constant 0 : i32
      %dma_wait3A_63 = tpu.memref_slice %arg3[%dma_wait3A_61, %dma_wait3A_62] : memref<4096x768xf32, #tpu.memory_space<hbm>> -> memref<4096x768xf32, #tpu.memory_space<hbm>>
      tpu.wait_indirect_dma semaphore(%arg17 : memref<!tpu.dma_semaphore, #tpu.memory_space<semaphore_mem>>) src(%dma_wait3A_63 : memref<4096x768xf32, #tpu.memory_space<hbm>>) dst(%arg9 : memref<16x768xf32, #tpu.memory_space<vmem>>)
      %dma_wait3A_64 = tpu.memref_slice %arg7[%add3A_21] : memref<1024xi32, #tpu.memory_space<vmem>> -> memref<16xi32, #tpu.memory_space<vmem>>
      %dma_wait3A_65 = arith.constant 0 : i32
      %dma_wait3A_66 = arith.constant 0 : i32
      %dma_wait3A_67 = tpu.memref_slice %arg4[%dma_wait3A_65, %dma_wait3A_66] : memref<4096x256xf32, #tpu.memory_space<hbm>> -> memref<4096x256xf32, #tpu.memory_space<hbm>>
      tpu.wait_indirect_dma semaphore(%arg21 : memref<!tpu.dma_semaphore, #tpu.memory_space<semaphore_mem>>) src(%dma_wait3A_67 : memref<4096x256xf32, #tpu.memory_space<hbm>>) dst(%arg13 : memref<16x256xf32, #tpu.memory_space<vmem>>)
      %add3A_68 = arith.addi %mul3A_2, %mul3A_10 : i32
      %add3A_69 = arith.constant 16 : i32
      %add3A_70 = arith.addi %add3A_68, %add3A_69 : i32
      "tpu.region"() ({
        %run_scoped3A = tpu.sem_alloc : memref<!tpu.dma_semaphore, #tpu.memory_space<semaphore_mem>>
        %dma_start3A_93 = arith.constant 0 : i32
        %dma_start3A_94 = tpu.memref_slice %arg5[%add3A_70, %dma_start3A_93] : memref<32768x768xf32, #tpu.memory_space<hbm>> -> memref<16x768xf32, #tpu.memory_space<hbm>>
        %dma_start3A_95 = arith.constant 0 : i32
        %dma_start3A_96 = tpu.memref_slice %arg5[%add3A_70, %dma_start3A_95] : memref<32768x768xf32, #tpu.memory_space<hbm>> -> memref<16x768xf32, #tpu.memory_space<hbm>>
        tpu.enqueue_dma source(%arg9 : memref<16x768xf32, #tpu.memory_space<vmem>>) target(%dma_start3A_96 : memref<16x768xf32, #tpu.memory_space<hbm>>) target_semaphore(%run_scoped3A : memref<!tpu.dma_semaphore, #tpu.memory_space<semaphore_mem>>)
        %dma_wait3A_97 = arith.constant 0 : i32
        %dma_wait3A_98 = tpu.memref_slice %arg5[%add3A_70, %dma_wait3A_97] : memref<32768x768xf32, #tpu.memory_space<hbm>> -> memref<16x768xf32, #tpu.memory_space<hbm>>
        %dma_wait3A_99 = arith.constant 0 : i32
        %dma_wait3A_100 = tpu.memref_slice %arg5[%add3A_70, %dma_wait3A_99] : memref<32768x768xf32, #tpu.memory_space<hbm>> -> memref<16x768xf32, #tpu.memory_space<hbm>>
        tpu.wait_dma2 semaphore(%run_scoped3A : memref<!tpu.dma_semaphore, #tpu.memory_space<semaphore_mem>>) src(%arg9 : memref<16x768xf32, #tpu.memory_space<vmem>>) dst(%dma_wait3A_100 : memref<16x768xf32, #tpu.memory_space<hbm>>)
        tpu.yield
      }) : () -> ()
      "tpu.region"() ({
        %run_scoped3A = tpu.sem_alloc : memref<!tpu.dma_semaphore, #tpu.memory_space<semaphore_mem>>
        %dma_start3A_93 = arith.constant 0 : i32
        %dma_start3A_94 = tpu.memref_slice %arg6[%add3A_70, %dma_start3A_93] : memref<32768x256xf32, #tpu.memory_space<hbm>> -> memref<16x256xf32, #tpu.memory_space<hbm>>
        %dma_start3A_95 = arith.constant 0 : i32
        %dma_start3A_96 = tpu.memref_slice %arg6[%add3A_70, %dma_start3A_95] : memref<32768x256xf32, #tpu.memory_space<hbm>> -> memref<16x256xf32, #tpu.memory_space<hbm>>
        tpu.enqueue_dma source(%arg13 : memref<16x256xf32, #tpu.memory_space<vmem>>) target(%dma_start3A_96 : memref<16x256xf32, #tpu.memory_space<hbm>>) target_semaphore(%run_scoped3A : memref<!tpu.dma_semaphore, #tpu.memory_space<semaphore_mem>>)
        %dma_wait3A_97 = arith.constant 0 : i32
        %dma_wait3A_98 = tpu.memref_slice %arg6[%add3A_70, %dma_wait3A_97] : memref<32768x256xf32, #tpu.memory_space<hbm>> -> memref<16x256xf32, #tpu.memory_space<hbm>>
        %dma_wait3A_99 = arith.constant 0 : i32
        %dma_wait3A_100 = tpu.memref_slice %arg6[%add3A_70, %dma_wait3A_99] : memref<32768x256xf32, #tpu.memory_space<hbm>> -> memref<16x256xf32, #tpu.memory_space<hbm>>
        tpu.wait_dma2 semaphore(%run_scoped3A : memref<!tpu.dma_semaphore, #tpu.memory_space<semaphore_mem>>) src(%arg13 : memref<16x256xf32, #tpu.memory_space<vmem>>) dst(%dma_wait3A_100 : memref<16x256xf32, #tpu.memory_space<hbm>>)
        tpu.yield
      }) : () -> ()
      %dma_wait3A_71 = tpu.memref_slice %arg7[%add3A_31] : memref<1024xi32, #tpu.memory_space<vmem>> -> memref<16xi32, #tpu.memory_space<vmem>>
      %dma_wait3A_72 = arith.constant 0 : i32
      %dma_wait3A_73 = arith.constant 0 : i32
      %dma_wait3A_74 = tpu.memref_slice %arg3[%dma_wait3A_72, %dma_wait3A_73] : memref<4096x768xf32, #tpu.memory_space<hbm>> -> memref<4096x768xf32, #tpu.memory_space<hbm>>
      tpu.wait_indirect_dma semaphore(%arg18 : memref<!tpu.dma_semaphore, #tpu.memory_space<semaphore_mem>>) src(%dma_wait3A_74 : memref<4096x768xf32, #tpu.memory_space<hbm>>) dst(%arg10 : memref<16x768xf32, #tpu.memory_space<vmem>>)
      %dma_wait3A_75 = tpu.memref_slice %arg7[%add3A_31] : memref<1024xi32, #tpu.memory_space<vmem>> -> memref<16xi32, #tpu.memory_space<vmem>>
      %dma_wait3A_76 = arith.constant 0 : i32
      %dma_wait3A_77 = arith.constant 0 : i32
      %dma_wait3A_78 = tpu.memref_slice %arg4[%dma_wait3A_76, %dma_wait3A_77] : memref<4096x256xf32, #tpu.memory_space<hbm>> -> memref<4096x256xf32, #tpu.memory_space<hbm>>
      tpu.wait_indirect_dma semaphore(%arg22 : memref<!tpu.dma_semaphore, #tpu.memory_space<semaphore_mem>>) src(%dma_wait3A_78 : memref<4096x256xf32, #tpu.memory_space<hbm>>) dst(%arg14 : memref<16x256xf32, #tpu.memory_space<vmem>>)
      %add3A_79 = arith.addi %mul3A_2, %mul3A_10 : i32
      %add3A_80 = arith.constant 32 : i32
      %add3A_81 = arith.addi %add3A_79, %add3A_80 : i32
      "tpu.region"() ({
        %run_scoped3A = tpu.sem_alloc : memref<!tpu.dma_semaphore, #tpu.memory_space<semaphore_mem>>
        %dma_start3A_93 = arith.constant 0 : i32
        %dma_start3A_94 = tpu.memref_slice %arg5[%add3A_81, %dma_start3A_93] : memref<32768x768xf32, #tpu.memory_space<hbm>> -> memref<16x768xf32, #tpu.memory_space<hbm>>
        %dma_start3A_95 = arith.constant 0 : i32
        %dma_start3A_96 = tpu.memref_slice %arg5[%add3A_81, %dma_start3A_95] : memref<32768x768xf32, #tpu.memory_space<hbm>> -> memref<16x768xf32, #tpu.memory_space<hbm>>
        tpu.enqueue_dma source(%arg10 : memref<16x768xf32, #tpu.memory_space<vmem>>) target(%dma_start3A_96 : memref<16x768xf32, #tpu.memory_space<hbm>>) target_semaphore(%run_scoped3A : memref<!tpu.dma_semaphore, #tpu.memory_space<semaphore_mem>>)
        %dma_wait3A_97 = arith.constant 0 : i32
        %dma_wait3A_98 = tpu.memref_slice %arg5[%add3A_81, %dma_wait3A_97] : memref<32768x768xf32, #tpu.memory_space<hbm>> -> memref<16x768xf32, #tpu.memory_space<hbm>>
        %dma_wait3A_99 = arith.constant 0 : i32
        %dma_wait3A_100 = tpu.memref_slice %arg5[%add3A_81, %dma_wait3A_99] : memref<32768x768xf32, #tpu.memory_space<hbm>> -> memref<16x768xf32, #tpu.memory_space<hbm>>
        tpu.wait_dma2 semaphore(%run_scoped3A : memref<!tpu.dma_semaphore, #tpu.memory_space<semaphore_mem>>) src(%arg10 : memref<16x768xf32, #tpu.memory_space<vmem>>) dst(%dma_wait3A_100 : memref<16x768xf32, #tpu.memory_space<hbm>>)
        tpu.yield
      }) : () -> ()
      "tpu.region"() ({
        %run_scoped3A = tpu.sem_alloc : memref<!tpu.dma_semaphore, #tpu.memory_space<semaphore_mem>>
        %dma_start3A_93 = arith.constant 0 : i32
        %dma_start3A_94 = tpu.memref_slice %arg6[%add3A_81, %dma_start3A_93] : memref<32768x256xf32, #tpu.memory_space<hbm>> -> memref<16x256xf32, #tpu.memory_space<hbm>>
        %dma_start3A_95 = arith.constant 0 : i32
        %dma_start3A_96 = tpu.memref_slice %arg6[%add3A_81, %dma_start3A_95] : memref<32768x256xf32, #tpu.memory_space<hbm>> -> memref<16x256xf32, #tpu.memory_space<hbm>>
        tpu.enqueue_dma source(%arg14 : memref<16x256xf32, #tpu.memory_space<vmem>>) target(%dma_start3A_96 : memref<16x256xf32, #tpu.memory_space<hbm>>) target_semaphore(%run_scoped3A : memref<!tpu.dma_semaphore, #tpu.memory_space<semaphore_mem>>)
        %dma_wait3A_97 = arith.constant 0 : i32
        %dma_wait3A_98 = tpu.memref_slice %arg6[%add3A_81, %dma_wait3A_97] : memref<32768x256xf32, #tpu.memory_space<hbm>> -> memref<16x256xf32, #tpu.memory_space<hbm>>
        %dma_wait3A_99 = arith.constant 0 : i32
        %dma_wait3A_100 = tpu.memref_slice %arg6[%add3A_81, %dma_wait3A_99] : memref<32768x256xf32, #tpu.memory_space<hbm>> -> memref<16x256xf32, #tpu.memory_space<hbm>>
        tpu.wait_dma2 semaphore(%run_scoped3A : memref<!tpu.dma_semaphore, #tpu.memory_space<semaphore_mem>>) src(%arg14 : memref<16x256xf32, #tpu.memory_space<vmem>>) dst(%dma_wait3A_100 : memref<16x256xf32, #tpu.memory_space<hbm>>)
        tpu.yield
      }) : () -> ()
      %dma_wait3A_82 = tpu.memref_slice %arg7[%add3A_41] : memref<1024xi32, #tpu.memory_space<vmem>> -> memref<16xi32, #tpu.memory_space<vmem>>
      %dma_wait3A_83 = arith.constant 0 : i32
      %dma_wait3A_84 = arith.constant 0 : i32
      %dma_wait3A_85 = tpu.memref_slice %arg3[%dma_wait3A_83, %dma_wait3A_84] : memref<4096x768xf32, #tpu.memory_space<hbm>> -> memref<4096x768xf32, #tpu.memory_space<hbm>>
      tpu.wait_indirect_dma semaphore(%arg19 : memref<!tpu.dma_semaphore, #tpu.memory_space<semaphore_mem>>) src(%dma_wait3A_85 : memref<4096x768xf32, #tpu.memory_space<hbm>>) dst(%arg11 : memref<16x768xf32, #tpu.memory_space<vmem>>)
      %dma_wait3A_86 = tpu.memref_slice %arg7[%add3A_41] : memref<1024xi32, #tpu.memory_space<vmem>> -> memref<16xi32, #tpu.memory_space<vmem>>
      %dma_wait3A_87 = arith.constant 0 : i32
      %dma_wait3A_88 = arith.constant 0 : i32
      %dma_wait3A_89 = tpu.memref_slice %arg4[%dma_wait3A_87, %dma_wait3A_88] : memref<4096x256xf32, #tpu.memory_space<hbm>> -> memref<4096x256xf32, #tpu.memory_space<hbm>>
      tpu.wait_indirect_dma semaphore(%arg23 : memref<!tpu.dma_semaphore, #tpu.memory_space<semaphore_mem>>) src(%dma_wait3A_89 : memref<4096x256xf32, #tpu.memory_space<hbm>>) dst(%arg15 : memref<16x256xf32, #tpu.memory_space<vmem>>)
      %add3A_90 = arith.addi %mul3A_2, %mul3A_10 : i32
      %add3A_91 = arith.constant 48 : i32
      %add3A_92 = arith.addi %add3A_90, %add3A_91 : i32
      "tpu.region"() ({
        %run_scoped3A = tpu.sem_alloc : memref<!tpu.dma_semaphore, #tpu.memory_space<semaphore_mem>>
        %dma_start3A_93 = arith.constant 0 : i32
        %dma_start3A_94 = tpu.memref_slice %arg5[%add3A_92, %dma_start3A_93] : memref<32768x768xf32, #tpu.memory_space<hbm>> -> memref<16x768xf32, #tpu.memory_space<hbm>>
        %dma_start3A_95 = arith.constant 0 : i32
        %dma_start3A_96 = tpu.memref_slice %arg5[%add3A_92, %dma_start3A_95] : memref<32768x768xf32, #tpu.memory_space<hbm>> -> memref<16x768xf32, #tpu.memory_space<hbm>>
        tpu.enqueue_dma source(%arg11 : memref<16x768xf32, #tpu.memory_space<vmem>>) target(%dma_start3A_96 : memref<16x768xf32, #tpu.memory_space<hbm>>) target_semaphore(%run_scoped3A : memref<!tpu.dma_semaphore, #tpu.memory_space<semaphore_mem>>)
        %dma_wait3A_97 = arith.constant 0 : i32
        %dma_wait3A_98 = tpu.memref_slice %arg5[%add3A_92, %dma_wait3A_97] : memref<32768x768xf32, #tpu.memory_space<hbm>> -> memref<16x768xf32, #tpu.memory_space<hbm>>
        %dma_wait3A_99 = arith.constant 0 : i32
        %dma_wait3A_100 = tpu.memref_slice %arg5[%add3A_92, %dma_wait3A_99] : memref<32768x768xf32, #tpu.memory_space<hbm>> -> memref<16x768xf32, #tpu.memory_space<hbm>>
        tpu.wait_dma2 semaphore(%run_scoped3A : memref<!tpu.dma_semaphore, #tpu.memory_space<semaphore_mem>>) src(%arg11 : memref<16x768xf32, #tpu.memory_space<vmem>>) dst(%dma_wait3A_100 : memref<16x768xf32, #tpu.memory_space<hbm>>)
        tpu.yield
      }) : () -> ()
      "tpu.region"() ({
        %run_scoped3A = tpu.sem_alloc : memref<!tpu.dma_semaphore, #tpu.memory_space<semaphore_mem>>
        %dma_start3A_93 = arith.constant 0 : i32
        %dma_start3A_94 = tpu.memref_slice %arg6[%add3A_92, %dma_start3A_93] : memref<32768x256xf32, #tpu.memory_space<hbm>> -> memref<16x256xf32, #tpu.memory_space<hbm>>
        %dma_start3A_95 = arith.constant 0 : i32
        %dma_start3A_96 = tpu.memref_slice %arg6[%add3A_92, %dma_start3A_95] : memref<32768x256xf32, #tpu.memory_space<hbm>> -> memref<16x256xf32, #tpu.memory_space<hbm>>
        tpu.enqueue_dma source(%arg15 : memref<16x256xf32, #tpu.memory_space<vmem>>) target(%dma_start3A_96 : memref<16x256xf32, #tpu.memory_space<hbm>>) target_semaphore(%run_scoped3A : memref<!tpu.dma_semaphore, #tpu.memory_space<semaphore_mem>>)
        %dma_wait3A_97 = arith.constant 0 : i32
        %dma_wait3A_98 = tpu.memref_slice %arg6[%add3A_92, %dma_wait3A_97] : memref<32768x256xf32, #tpu.memory_space<hbm>> -> memref<16x256xf32, #tpu.memory_space<hbm>>
        %dma_wait3A_99 = arith.constant 0 : i32
        %dma_wait3A_100 = tpu.memref_slice %arg6[%add3A_92, %dma_wait3A_99] : memref<32768x256xf32, #tpu.memory_space<hbm>> -> memref<16x256xf32, #tpu.memory_space<hbm>>
        tpu.wait_dma2 semaphore(%run_scoped3A : memref<!tpu.dma_semaphore, #tpu.memory_space<semaphore_mem>>) src(%arg15 : memref<16x256xf32, #tpu.memory_space<vmem>>) dst(%dma_wait3A_100 : memref<16x256xf32, #tpu.memory_space<hbm>>)
        tpu.yield
      }) : () -> ()
    }
    %scan3A_7 = arith.constant 16 : i32
    return
  }
}

module attributes {stable_mosaic.version = 14 : i64} {
  func.func @_vq_body(%arg0: i32, %arg1: memref<256x256xf32, #tpu.memory_space<vmem>>, %arg2: memref<768x256xf32, #tpu.memory_space<vmem>>, %arg3: memref<1x768xf32, #tpu.memory_space<vmem>>, %arg4: memref<4096x768xbf16, #tpu.memory_space<vmem>>, %arg5: memref<1x4096xf32, #tpu.memory_space<vmem>>, %arg6: memref<256x1xi32, #tpu.memory_space<vmem>>, %arg7: memref<1x1xf32, #tpu.memory_space<vmem>>, %arg8: memref<1xf32, #tpu.memory_space<smem>>) attributes {dimension_semantics = [#tpu.dimension_semantics<arbitrary>], iteration_bounds = array<i64: 128>, scalar_prefetch = 0 : i64, scratch_operands = 1 : i64, tpu.core_type = #tpu.core_type<tc>, window_params = [{transform_indices = @transform_0, window_bounds = array<i64: 256, 256>}, {pipeline_mode = #tpu.pipeline_mode<synchronous>, transform_indices = @transform_1, window_bounds = array<i64: 768, 256>}, {pipeline_mode = #tpu.pipeline_mode<synchronous>, transform_indices = @transform_2, window_bounds = array<i64: 1, 768>}, {pipeline_mode = #tpu.pipeline_mode<synchronous>, transform_indices = @transform_3, window_bounds = array<i64: 4096, 768>}, {pipeline_mode = #tpu.pipeline_mode<synchronous>, transform_indices = @transform_4, window_bounds = array<i64: 1, 4096>}, {transform_indices = @transform_5, window_bounds = array<i64: 256, 1>}, {pipeline_mode = #tpu.pipeline_mode<synchronous>, transform_indices = @transform_6, window_bounds = array<i64: 1, 1>}]} {
    %get3A = arith.constant 0 : index
    %get3A_0 = arith.constant 0 : index
    %get3A_1 = vector.load %arg1[%get3A, %get3A_0] : memref<256x256xf32, #tpu.memory_space<vmem>>, vector<256x256xf32>
    %convert_element_type3A = arith.truncf %get3A_1 : vector<256x256xf32> to vector<256x256xbf16>
    %get3A_2 = arith.constant 0 : index
    %get3A_3 = arith.constant 0 : index
    %get3A_4 = vector.load %arg2[%get3A_2, %get3A_3] : memref<768x256xf32, #tpu.memory_space<vmem>>, vector<768x256xf32>
    %convert_element_type3A_5 = arith.truncf %get3A_4 : vector<768x256xf32> to vector<768x256xbf16>
    %dot_general3A = arith.constant dense<0.000000e+00> : vector<256x768xf32>
    %dot_general3A_6 = tpu.matmul %convert_element_type3A, %convert_element_type3A_5, %dot_general3A {dimension_numbers = #tpu.dot_dimension_numbers<[1], [1], [0], [0], [0, 0, 1, 0], [], []>, transpose_lhs_hint = false} : vector<256x256xbf16>, vector<768x256xbf16>, vector<256x768xf32> -> vector<256x768xf32>
    %get3A_7 = arith.constant 0 : index
    %get3A_8 = arith.constant 0 : index
    %get3A_9 = vector.load %arg3[%get3A_7, %get3A_8] : memref<1x768xf32, #tpu.memory_space<vmem>>, vector<1x768xf32>
    %add3A = vector.broadcast %get3A_9 : vector<1x768xf32> to vector<256x768xf32>
    %add3A_10 = arith.addf %dot_general3A_6, %add3A : vector<256x768xf32>
    %mul3A = arith.mulf %add3A_10, %add3A_10 : vector<256x768xf32>
    %reduce_sum3A = arith.constant dense<0.000000e+00> : vector<256xf32>
    %reduce_sum3A_11 = vector.multi_reduction <add>, %mul3A, %reduce_sum3A [1] : vector<256x768xf32> to vector<256xf32>
    %broadcast_in_dim3A = vector.shape_cast %reduce_sum3A_11 : vector<256xf32> to vector<256x1xf32>
    %add3A_12 = arith.addf %add3A_10, %add3A_10 : vector<256x768xf32>
    %convert_element_type3A_13 = arith.truncf %add3A_12 : vector<256x768xf32> to vector<256x768xbf16>
    %get3A_14 = arith.constant 0 : index
    %get3A_15 = arith.constant 0 : index
    %get3A_16 = vector.load %arg4[%get3A_14, %get3A_15] : memref<4096x768xbf16, #tpu.memory_space<vmem>>, vector<1024x768xbf16>
    %dot_general3A_17 = arith.constant dense<0.000000e+00> : vector<256x1024xf32>
    %dot_general3A_18 = tpu.matmul %convert_element_type3A_13, %get3A_16, %dot_general3A_17 {dimension_numbers = #tpu.dot_dimension_numbers<[1], [1], [0], [0], [0, 0, 1, 0], [], []>, transpose_lhs_hint = false} : vector<256x768xbf16>, vector<1024x768xbf16>, vector<256x1024xf32> -> vector<256x1024xf32>
    %sub3A = vector.broadcast %broadcast_in_dim3A : vector<256x1xf32> to vector<256x1024xf32>
    %sub3A_19 = arith.subf %sub3A, %dot_general3A_18 : vector<256x1024xf32>
    %get3A_20 = arith.constant 0 : index
    %get3A_21 = arith.constant 0 : index
    %get3A_22 = vector.load %arg5[%get3A_20, %get3A_21] : memref<1x4096xf32, #tpu.memory_space<vmem>>, vector<1x1024xf32>
    %add3A_23 = vector.broadcast %get3A_22 : vector<1x1024xf32> to vector<256x1024xf32>
    %add3A_24 = arith.addf %sub3A_19, %add3A_23 : vector<256x1024xf32>
    %reduce_min3A = arith.constant dense<0x7F800000> : vector<256xf32>
    %reduce_min3A_25 = vector.multi_reduction <minimumf>, %add3A_24, %reduce_min3A [1] : vector<256x1024xf32> to vector<256xf32>
    %broadcast_in_dim3A_26 = vector.shape_cast %reduce_min3A_25 : vector<256xf32> to vector<256x1xf32>
    %iota3A = tpu.iota {dimensions = array<i32: 1>} : vector<256x1024xi32>
    %add3A_27 = arith.constant 0 : i32
    %add3A_28 = vector.broadcast %add3A_27 : i32 to vector<256x1024xi32>
    %add3A_29 = arith.addi %iota3A, %add3A_28 : vector<256x1024xi32>
    %eq3A = vector.broadcast %broadcast_in_dim3A_26 : vector<256x1xf32> to vector<256x1024xf32>
    %eq3A_30 = arith.cmpf oeq, %add3A_24, %eq3A : vector<256x1024xf32>
    %jit3A = arith.constant 4096 : i32
    %broadcast_in_dim3A_31 = vector.broadcast %jit3A : i32 to vector<256x1024xi32>
    %select_n3A = arith.select %eq3A_30, %add3A_29, %broadcast_in_dim3A_31 : vector<256x1024xi1>, vector<256x1024xi32>
    %reduce_min3A_32 = arith.constant dense<2147483647> : vector<256xi32>
    %reduce_min3A_33 = vector.multi_reduction <minsi>, %select_n3A, %reduce_min3A_32 [1] : vector<256x1024xi32> to vector<256xi32>
    %broadcast_in_dim3A_34 = vector.shape_cast %reduce_min3A_33 : vector<256xi32> to vector<256x1xi32>
    %get3A_35 = arith.constant 1024 : index
    %get3A_36 = arith.constant 0 : index
    %get3A_37 = vector.load %arg4[%get3A_35, %get3A_36] : memref<4096x768xbf16, #tpu.memory_space<vmem>>, vector<1024x768xbf16>
    %dot_general3A_38 = arith.constant dense<0.000000e+00> : vector<256x1024xf32>
    %dot_general3A_39 = tpu.matmul %convert_element_type3A_13, %get3A_37, %dot_general3A_38 {dimension_numbers = #tpu.dot_dimension_numbers<[1], [1], [0], [0], [0, 0, 1, 0], [], []>, transpose_lhs_hint = false} : vector<256x768xbf16>, vector<1024x768xbf16>, vector<256x1024xf32> -> vector<256x1024xf32>
    %sub3A_40 = vector.broadcast %broadcast_in_dim3A : vector<256x1xf32> to vector<256x1024xf32>
    %sub3A_41 = arith.subf %sub3A_40, %dot_general3A_39 : vector<256x1024xf32>
    %get3A_42 = arith.constant 0 : index
    %get3A_43 = arith.constant 1024 : index
    %get3A_44 = vector.load %arg5[%get3A_42, %get3A_43] : memref<1x4096xf32, #tpu.memory_space<vmem>>, vector<1x1024xf32>
    %add3A_45 = vector.broadcast %get3A_44 : vector<1x1024xf32> to vector<256x1024xf32>
    %add3A_46 = arith.addf %sub3A_41, %add3A_45 : vector<256x1024xf32>
    %reduce_min3A_47 = arith.constant dense<0x7F800000> : vector<256xf32>
    %reduce_min3A_48 = vector.multi_reduction <minimumf>, %add3A_46, %reduce_min3A_47 [1] : vector<256x1024xf32> to vector<256xf32>
    %broadcast_in_dim3A_49 = vector.shape_cast %reduce_min3A_48 : vector<256xf32> to vector<256x1xf32>
    %iota3A_50 = tpu.iota {dimensions = array<i32: 1>} : vector<256x1024xi32>
    %add3A_51 = arith.constant 1024 : i32
    %add3A_52 = vector.broadcast %add3A_51 : i32 to vector<256x1024xi32>
    %add3A_53 = arith.addi %iota3A_50, %add3A_52 : vector<256x1024xi32>
    %eq3A_54 = vector.broadcast %broadcast_in_dim3A_49 : vector<256x1xf32> to vector<256x1024xf32>
    %eq3A_55 = arith.cmpf oeq, %add3A_46, %eq3A_54 : vector<256x1024xf32>
    %jit3A_56 = arith.constant 4096 : i32
    %broadcast_in_dim3A_57 = vector.broadcast %jit3A_56 : i32 to vector<256x1024xi32>
    %select_n3A_58 = arith.select %eq3A_55, %add3A_53, %broadcast_in_dim3A_57 : vector<256x1024xi1>, vector<256x1024xi32>
    %reduce_min3A_59 = arith.constant dense<2147483647> : vector<256xi32>
    %reduce_min3A_60 = vector.multi_reduction <minsi>, %select_n3A_58, %reduce_min3A_59 [1] : vector<256x1024xi32> to vector<256xi32>
    %broadcast_in_dim3A_61 = vector.shape_cast %reduce_min3A_60 : vector<256xi32> to vector<256x1xi32>
    %lt3A = arith.cmpf olt, %broadcast_in_dim3A_49, %broadcast_in_dim3A_26 : vector<256x1xf32>
    %select_n3A_62 = arith.select %lt3A, %broadcast_in_dim3A_61, %broadcast_in_dim3A_34 : vector<256x1xi1>, vector<256x1xi32>
    %min3A = arith.minimumf %broadcast_in_dim3A_26, %broadcast_in_dim3A_49 : vector<256x1xf32>
    %get3A_63 = arith.constant 2048 : index
    %get3A_64 = arith.constant 0 : index
    %get3A_65 = vector.load %arg4[%get3A_63, %get3A_64] : memref<4096x768xbf16, #tpu.memory_space<vmem>>, vector<1024x768xbf16>
    %dot_general3A_66 = arith.constant dense<0.000000e+00> : vector<256x1024xf32>
    %dot_general3A_67 = tpu.matmul %convert_element_type3A_13, %get3A_65, %dot_general3A_66 {dimension_numbers = #tpu.dot_dimension_numbers<[1], [1], [0], [0], [0, 0, 1, 0], [], []>, transpose_lhs_hint = false} : vector<256x768xbf16>, vector<1024x768xbf16>, vector<256x1024xf32> -> vector<256x1024xf32>
    %sub3A_68 = vector.broadcast %broadcast_in_dim3A : vector<256x1xf32> to vector<256x1024xf32>
    %sub3A_69 = arith.subf %sub3A_68, %dot_general3A_67 : vector<256x1024xf32>
    %get3A_70 = arith.constant 0 : index
    %get3A_71 = arith.constant 2048 : index
    %get3A_72 = vector.load %arg5[%get3A_70, %get3A_71] : memref<1x4096xf32, #tpu.memory_space<vmem>>, vector<1x1024xf32>
    %add3A_73 = vector.broadcast %get3A_72 : vector<1x1024xf32> to vector<256x1024xf32>
    %add3A_74 = arith.addf %sub3A_69, %add3A_73 : vector<256x1024xf32>
    %reduce_min3A_75 = arith.constant dense<0x7F800000> : vector<256xf32>
    %reduce_min3A_76 = vector.multi_reduction <minimumf>, %add3A_74, %reduce_min3A_75 [1] : vector<256x1024xf32> to vector<256xf32>
    %broadcast_in_dim3A_77 = vector.shape_cast %reduce_min3A_76 : vector<256xf32> to vector<256x1xf32>
    %iota3A_78 = tpu.iota {dimensions = array<i32: 1>} : vector<256x1024xi32>
    %add3A_79 = arith.constant 2048 : i32
    %add3A_80 = vector.broadcast %add3A_79 : i32 to vector<256x1024xi32>
    %add3A_81 = arith.addi %iota3A_78, %add3A_80 : vector<256x1024xi32>
    %eq3A_82 = vector.broadcast %broadcast_in_dim3A_77 : vector<256x1xf32> to vector<256x1024xf32>
    %eq3A_83 = arith.cmpf oeq, %add3A_74, %eq3A_82 : vector<256x1024xf32>
    %jit3A_84 = arith.constant 4096 : i32
    %broadcast_in_dim3A_85 = vector.broadcast %jit3A_84 : i32 to vector<256x1024xi32>
    %select_n3A_86 = arith.select %eq3A_83, %add3A_81, %broadcast_in_dim3A_85 : vector<256x1024xi1>, vector<256x1024xi32>
    %reduce_min3A_87 = arith.constant dense<2147483647> : vector<256xi32>
    %reduce_min3A_88 = vector.multi_reduction <minsi>, %select_n3A_86, %reduce_min3A_87 [1] : vector<256x1024xi32> to vector<256xi32>
    %broadcast_in_dim3A_89 = vector.shape_cast %reduce_min3A_88 : vector<256xi32> to vector<256x1xi32>
    %lt3A_90 = arith.cmpf olt, %broadcast_in_dim3A_77, %min3A : vector<256x1xf32>
    %select_n3A_91 = arith.select %lt3A_90, %broadcast_in_dim3A_89, %select_n3A_62 : vector<256x1xi1>, vector<256x1xi32>
    %min3A_92 = arith.minimumf %min3A, %broadcast_in_dim3A_77 : vector<256x1xf32>
    %get3A_93 = arith.constant 3072 : index
    %get3A_94 = arith.constant 0 : index
    %get3A_95 = vector.load %arg4[%get3A_93, %get3A_94] : memref<4096x768xbf16, #tpu.memory_space<vmem>>, vector<1024x768xbf16>
    %dot_general3A_96 = arith.constant dense<0.000000e+00> : vector<256x1024xf32>
    %dot_general3A_97 = tpu.matmul %convert_element_type3A_13, %get3A_95, %dot_general3A_96 {dimension_numbers = #tpu.dot_dimension_numbers<[1], [1], [0], [0], [0, 0, 1, 0], [], []>, transpose_lhs_hint = false} : vector<256x768xbf16>, vector<1024x768xbf16>, vector<256x1024xf32> -> vector<256x1024xf32>
    %sub3A_98 = vector.broadcast %broadcast_in_dim3A : vector<256x1xf32> to vector<256x1024xf32>
    %sub3A_99 = arith.subf %sub3A_98, %dot_general3A_97 : vector<256x1024xf32>
    %get3A_100 = arith.constant 0 : index
    %get3A_101 = arith.constant 3072 : index
    %get3A_102 = vector.load %arg5[%get3A_100, %get3A_101] : memref<1x4096xf32, #tpu.memory_space<vmem>>, vector<1x1024xf32>
    %add3A_103 = vector.broadcast %get3A_102 : vector<1x1024xf32> to vector<256x1024xf32>
    %add3A_104 = arith.addf %sub3A_99, %add3A_103 : vector<256x1024xf32>
    %reduce_min3A_105 = arith.constant dense<0x7F800000> : vector<256xf32>
    %reduce_min3A_106 = vector.multi_reduction <minimumf>, %add3A_104, %reduce_min3A_105 [1] : vector<256x1024xf32> to vector<256xf32>
    %broadcast_in_dim3A_107 = vector.shape_cast %reduce_min3A_106 : vector<256xf32> to vector<256x1xf32>
    %iota3A_108 = tpu.iota {dimensions = array<i32: 1>} : vector<256x1024xi32>
    %add3A_109 = arith.constant 3072 : i32
    %add3A_110 = vector.broadcast %add3A_109 : i32 to vector<256x1024xi32>
    %add3A_111 = arith.addi %iota3A_108, %add3A_110 : vector<256x1024xi32>
    %eq3A_112 = vector.broadcast %broadcast_in_dim3A_107 : vector<256x1xf32> to vector<256x1024xf32>
    %eq3A_113 = arith.cmpf oeq, %add3A_104, %eq3A_112 : vector<256x1024xf32>
    %jit3A_114 = arith.constant 4096 : i32
    %broadcast_in_dim3A_115 = vector.broadcast %jit3A_114 : i32 to vector<256x1024xi32>
    %select_n3A_116 = arith.select %eq3A_113, %add3A_111, %broadcast_in_dim3A_115 : vector<256x1024xi1>, vector<256x1024xi32>
    %reduce_min3A_117 = arith.constant dense<2147483647> : vector<256xi32>
    %reduce_min3A_118 = vector.multi_reduction <minsi>, %select_n3A_116, %reduce_min3A_117 [1] : vector<256x1024xi32> to vector<256xi32>
    %broadcast_in_dim3A_119 = vector.shape_cast %reduce_min3A_118 : vector<256xi32> to vector<256x1xi32>
    %lt3A_120 = arith.cmpf olt, %broadcast_in_dim3A_107, %min3A_92 : vector<256x1xf32>
    %select_n3A_121 = arith.select %lt3A_120, %broadcast_in_dim3A_119, %select_n3A_91 : vector<256x1xi1>, vector<256x1xi32>
    %min3A_122 = arith.minimumf %min3A_92, %broadcast_in_dim3A_107 : vector<256x1xf32>
    %swap3A = arith.constant 0 : index
    %swap3A_123 = arith.constant 0 : index
    %swap3A_124 = vector.load %arg6[%swap3A, %swap3A_123] : memref<256x1xi32, #tpu.memory_space<vmem>>, vector<256x1xi32>
    tpu.vector_store %arg6[%swap3A, %swap3A_123], %select_n3A_121 {strides = array<i32>} : memref<256x1xi32, #tpu.memory_space<vmem>>, vector<256x1xi32>,
    %eq3A_125 = arith.constant 0 : i32
    %eq3A_126 = arith.cmpi eq, %arg0, %eq3A_125 : i32
    %convert_element_type3A_127 = arith.extui %eq3A_126 : i1 to i32
    %cond3A = arith.constant 0 : i32
    %cond3A_128 = arith.cmpi ne, %convert_element_type3A_127, %cond3A : i32
    scf.if %cond3A_128 {
      %swap3A_144 = arith.constant 0.000000e+00 : f32
      %swap3A_145 = arith.constant 0 : index
      %swap3A_146 = memref.load %arg8[%swap3A_145] : memref<1xf32, #tpu.memory_space<smem>>
      memref.store %swap3A_144, %arg8[%swap3A_145] : memref<1xf32, #tpu.memory_space<smem>>
    } else {
    }
    %get3A_129 = arith.constant 0 : index
    %get3A_130 = memref.load %arg8[%get3A_129] : memref<1xf32, #tpu.memory_space<smem>>
    %reduce_sum3A_131 = vector.shape_cast %min3A_122 : vector<256x1xf32> to vector<1x256x1xf32>
    %reduce_sum3A_132 = arith.constant dense<0.000000e+00> : vector<1xf32>
    %reduce_sum3A_133 = vector.multi_reduction <add>, %reduce_sum3A_131, %reduce_sum3A_132 [1, 2] : vector<1x256x1xf32> to vector<1xf32>
    %reduce_sum3A_134 = vector.shape_cast %reduce_sum3A_133 : vector<1xf32> to vector<1x1x1xf32>
    %reduce_sum3A_135 = vector.extract %reduce_sum3A_134[0, 0, 0] : f32 from vector<1x1x1xf32>
    %add3A_136 = arith.addf %get3A_130, %reduce_sum3A_135 : f32
    %swap3A_137 = arith.constant 0 : index
    %swap3A_138 = memref.load %arg8[%swap3A_137] : memref<1xf32, #tpu.memory_space<smem>>
    memref.store %add3A_136, %arg8[%swap3A_137] : memref<1xf32, #tpu.memory_space<smem>>
    %eq3A_139 = arith.constant 127 : i32
    %eq3A_140 = arith.cmpi eq, %arg0, %eq3A_139 : i32
    %convert_element_type3A_141 = arith.extui %eq3A_140 : i1 to i32
    %cond3A_142 = arith.constant 0 : i32
    %cond3A_143 = arith.cmpi ne, %convert_element_type3A_141, %cond3A_142 : i32
    scf.if %cond3A_143 {
      %get3A_144 = arith.constant 0 : index
      %get3A_145 = memref.load %arg8[%get3A_144] : memref<1xf32, #tpu.memory_space<smem>>
      %mul3A_146 = arith.constant 3.9736431E-8 : f32
      %mul3A_147 = arith.mulf %get3A_145, %mul3A_146 : f32
      %broadcast_in_dim3A_148 = vector.broadcast %mul3A_147 : f32 to vector<1x1xf32>
      %swap3A_149 = arith.constant 0 : index
      %swap3A_150 = arith.constant 0 : index
      %swap3A_151 = vector.load %arg7[%swap3A_149, %swap3A_150] : memref<1x1xf32, #tpu.memory_space<vmem>>, vector<1x1xf32>
      tpu.vector_store %arg7[%swap3A_149, %swap3A_150], %broadcast_in_dim3A_148 {strides = array<i32>} : memref<1x1xf32, #tpu.memory_space<vmem>>, vector<1x1xf32>,
    } else {
    }
    return
  }
  func.func @transform_0(%arg0: i32) -> (i32, i32) {
    %c0_i32 = arith.constant 0 : i32
    %c0_i32_0 = arith.constant 0 : i32
    return %arg0, %c0_i32 : i32, i32
  }
  func.func @transform_1(%arg0: i32) -> (i32, i32) {
    %c0_i32 = arith.constant 0 : i32
    %c0_i32_0 = arith.constant 0 : i32
    %c0_i32_1 = arith.constant 0 : i32
    return %c0_i32, %c0_i32_0 : i32, i32
  }
  func.func @transform_2(%arg0: i32) -> (i32, i32) {
    %c0_i32 = arith.constant 0 : i32
    %c0_i32_0 = arith.constant 0 : i32
    %c0_i32_1 = arith.constant 0 : i32
    return %c0_i32, %c0_i32_0 : i32, i32
  }
  func.func @transform_3(%arg0: i32) -> (i32, i32) {
    %c0_i32 = arith.constant 0 : i32
    %c0_i32_0 = arith.constant 0 : i32
    %c0_i32_1 = arith.constant 0 : i32
    return %c0_i32, %c0_i32_0 : i32, i32
  }
  func.func @transform_4(%arg0: i32) -> (i32, i32) {
    %c0_i32 = arith.constant 0 : i32
    %c0_i32_0 = arith.constant 0 : i32
    %c0_i32_1 = arith.constant 0 : i32
    return %c0_i32, %c0_i32_0 : i32, i32
  }
  func.func @transform_5(%arg0: i32) -> (i32, i32) {
    %c0_i32 = arith.constant 0 : i32
    %c0_i32_0 = arith.constant 0 : i32
    return %arg0, %c0_i32 : i32, i32
  }
  func.func @transform_6(%arg0: i32) -> (i32, i32) {
    %c0_i32 = arith.constant 0 : i32
    %c0_i32_0 = arith.constant 0 : i32
    %c0_i32_1 = arith.constant 0 : i32
    return %c0_i32, %c0_i32_0 : i32, i32
  }
}

module attributes {stable_mosaic.version = 14 : i64} {
  func.func @_prep_body(%arg0: i32, %arg1: memref<512x768xf32, #tpu.memory_space<vmem>>, %arg2: memref<256x768xf32, #tpu.memory_space<vmem>>, %arg3: memref<1x256xf32, #tpu.memory_space<vmem>>, %arg4: memref<512x768xbf16, #tpu.memory_space<vmem>>, %arg5: memref<512x1xf32, #tpu.memory_space<vmem>>, %arg6: memref<512x256xf32, #tpu.memory_space<vmem>>) attributes {dimension_semantics = [#tpu.dimension_semantics<arbitrary>], iteration_bounds = array<i64: 8>, scalar_prefetch = 0 : i64, scratch_operands = 0 : i64, tpu.core_type = #tpu.core_type<tc>, window_params = [{transform_indices = @transform_0, window_bounds = array<i64: 512, 768>}, {pipeline_mode = #tpu.pipeline_mode<synchronous>, transform_indices = @transform_1, window_bounds = array<i64: 256, 768>}, {pipeline_mode = #tpu.pipeline_mode<synchronous>, transform_indices = @transform_2, window_bounds = array<i64: 1, 256>}, {transform_indices = @transform_3, window_bounds = array<i64: 512, 768>}, {transform_indices = @transform_4, window_bounds = array<i64: 512, 1>}, {transform_indices = @transform_5, window_bounds = array<i64: 512, 256>}]} {
    %get3A = arith.constant 0 : index
    %get3A_0 = arith.constant 0 : index
    %get3A_1 = vector.load %arg1[%get3A, %get3A_0] : memref<512x768xf32, #tpu.memory_space<vmem>>, vector<512x768xf32>
    %convert_element_type3A = arith.truncf %get3A_1 : vector<512x768xf32> to vector<512x768xbf16>
    %swap3A = arith.constant 0 : index
    %swap3A_2 = arith.constant 0 : index
    %swap3A_3 = vector.load %arg4[%swap3A, %swap3A_2] : memref<512x768xbf16, #tpu.memory_space<vmem>>, vector<512x768xbf16>
    tpu.vector_store %arg4[%swap3A, %swap3A_2], %convert_element_type3A {strides = array<i32>} : memref<512x768xbf16, #tpu.memory_space<vmem>>, vector<512x768xbf16>,
    %mul3A = arith.mulf %get3A_1, %get3A_1 : vector<512x768xf32>
    %reduce_sum3A = arith.constant dense<0.000000e+00> : vector<512xf32>
    %reduce_sum3A_4 = vector.multi_reduction <add>, %mul3A, %reduce_sum3A [1] : vector<512x768xf32> to vector<512xf32>
    %broadcast_in_dim3A = vector.shape_cast %reduce_sum3A_4 : vector<512xf32> to vector<512x1xf32>
    %swap3A_5 = arith.constant 0 : index
    %swap3A_6 = arith.constant 0 : index
    %swap3A_7 = vector.load %arg5[%swap3A_5, %swap3A_6] : memref<512x1xf32, #tpu.memory_space<vmem>>, vector<512x1xf32>
    tpu.vector_store %arg5[%swap3A_5, %swap3A_6], %broadcast_in_dim3A {strides = array<i32>} : memref<512x1xf32, #tpu.memory_space<vmem>>, vector<512x1xf32>,
    %convert_element_type3A_8 = arith.truncf %get3A_1 : vector<512x768xf32> to vector<512x768xbf16>
    %get3A_9 = arith.constant 0 : index
    %get3A_10 = arith.constant 0 : index
    %get3A_11 = vector.load %arg2[%get3A_9, %get3A_10] : memref<256x768xf32, #tpu.memory_space<vmem>>, vector<256x768xf32>
    %convert_element_type3A_12 = arith.truncf %get3A_11 : vector<256x768xf32> to vector<256x768xbf16>
    %dot_general3A = arith.constant dense<0.000000e+00> : vector<512x256xf32>
    %dot_general3A_13 = tpu.matmul %convert_element_type3A_8, %convert_element_type3A_12, %dot_general3A {dimension_numbers = #tpu.dot_dimension_numbers<[1], [1], [0], [0], [0, 0, 1, 0], [], []>, transpose_lhs_hint = false} : vector<512x768xbf16>, vector<256x768xbf16>, vector<512x256xf32> -> vector<512x256xf32>
    %get3A_14 = arith.constant 0 : index
    %get3A_15 = arith.constant 0 : index
    %get3A_16 = vector.load %arg3[%get3A_14, %get3A_15] : memref<1x256xf32, #tpu.memory_space<vmem>>, vector<1x256xf32>
    %add3A = vector.broadcast %get3A_16 : vector<1x256xf32> to vector<512x256xf32>
    %add3A_17 = arith.addf %dot_general3A_13, %add3A : vector<512x256xf32>
    %swap3A_18 = arith.constant 0 : index
    %swap3A_19 = arith.constant 0 : index
    %swap3A_20 = vector.load %arg6[%swap3A_18, %swap3A_19] : memref<512x256xf32, #tpu.memory_space<vmem>>, vector<512x256xf32>
    tpu.vector_store %arg6[%swap3A_18, %swap3A_19], %add3A_17 {strides = array<i32>} : memref<512x256xf32, #tpu.memory_space<vmem>>, vector<512x256xf32>,
    return
  }
  func.func @transform_0(%arg0: i32) -> (i32, i32) {
    %c0_i32 = arith.constant 0 : i32
    %c0_i32_0 = arith.constant 0 : i32
    return %arg0, %c0_i32 : i32, i32
  }
  func.func @transform_1(%arg0: i32) -> (i32, i32) {
    %c0_i32 = arith.constant 0 : i32
    %c0_i32_0 = arith.constant 0 : i32
    %c0_i32_1 = arith.constant 0 : i32
    return %c0_i32, %c0_i32_0 : i32, i32
  }
  func.func @transform_2(%arg0: i32) -> (i32, i32) {
    %c0_i32 = arith.constant 0 : i32
    %c0_i32_0 = arith.constant 0 : i32
    %c0_i32_1 = arith.constant 0 : i32
    return %c0_i32, %c0_i32_0 : i32, i32
  }
  func.func @transform_3(%arg0: i32) -> (i32, i32) {
    %c0_i32 = arith.constant 0 : i32
    %c0_i32_0 = arith.constant 0 : i32
    return %arg0, %c0_i32 : i32, i32
  }
  func.func @transform_4(%arg0: i32) -> (i32, i32) {
    %c0_i32 = arith.constant 0 : i32
    %c0_i32_0 = arith.constant 0 : i32
    return %arg0, %c0_i32 : i32, i32
  }
  func.func @transform_5(%arg0: i32) -> (i32, i32) {
    %c0_i32 = arith.constant 0 : i32
    %c0_i32_0 = arith.constant 0 : i32
    return %arg0, %c0_i32 : i32, i32
  }
}

</mosaic_0001>

<sc_bundles>
// kernel: kernel.5.cloned.1.call-start
scs
__scs_entry_jumppad:
0x0: {  	(pc) =	sbr.rel $0x88, $3  }
0x1: {  	(tag) =	ssettag $0x0;
	lr =	simm.s32 $0x1  }
0x2: {  	[smem:$0x3F9B] =	sst lr;
	_ =	strace $0xD0000000  }
0x3: {  	_ = 	snop  }
0x4: {  	_ = 	snop  }
0x5: {  	_ = 	snop  }
0x6: {  	_ = 	snop  }
0x7: {  	_ = 	snop  }
__scs_overlays_trampoline_lowered:
0x8: {  	[smem:$0x3FAA] =	sst s0  }
0x9: {  	[smem:$0x3FAB] =	sst s1  }
0xa: {  	[smem:$0x3FAC] =	sst s2  }
0xb: {  	[smem:$0x3FAD] =	sst s3  }
0xc: {  	[smem:$0x3FAE] =	sst s4  }
0xd: {  	[smem:$0x3FAF] =	sst s5  }
0xe: {  	[smem:$0x3FB0] =	sst s6  }
0xf: {  	[smem:$0x3FB1] =	sst s7  }
0x10: {  	[smem:$0x3FB2] =	sst s8  }
0x11: {  	[smem:$0x3FB3] =	sst s9;
	s0 =	simm.s32 @!p0 $0x0  }
0x12: {  	s1 =	sld [smem:$0x3F99];
	s0 =	simm.s32 @p0 $0x1  }
0x13: {  	[smem:$0x3FB4] =	sst s0;
	s0 =	simm.s32 @!p1 $0x0  }
0x14: {  	s2 =	sld [smem:$0x3F98];
	s0 =	simm.s32 @p1 $0x1  }
0x15: {  	[smem:$0x3FB5] =	sst s0;
	s0 =	simm.s32 @!p2 $0x0  }
0x16: {  	s3 =	sld [smem:$0x3FDB];
	s0 =	simm.s32 @p2 $0x1  }
0x17: {  	s4 =	simm.s32 $0x1BF5;
	[smem:$0x3FB7] =	sst s0  }
0x18: {  	s0 =	sld [smem:$0x3F9A];
	_ =	swait.ge [sflag:s4], $0x0  }
0x19: {  	s7 =	sld [smem:$0x3F9B]  }
0x1a: {  	s8 =	sadd.s32 $0xFFFFE003, lr  }
0x1b: {  	s9 =	sadd.s32 $0xFFFFFEF7, lr;
	s5 =	simm.s32 $0xFFFFFFFF;
	p2 =	slt.u32 s8, $0xFFFFF086  }
0x1c: {  	p1 =	slt.u32 s9, $0xF7A;
	s5 =	simm.s32 @!p2 $0x0  }
0x1d: {  	s5 =	simm.s32 @p1 $0x1;
	p0 =	seq.s32 s7, s2  }
0x1e: {  	s7 =	smul.u32 @!p0 $0xF7A, s2;
	p2 =	seq.s32 @!p0 s5, $0x0  }
0x1f: {  	s9 =	smul.u32 $0xF7A, s1;
	s8 =	simm.s32 @!p0 $0x1BF5;
	p2 =	por !p2, p0  }
0x20: {  	[sflag:s8] =	ssyncset.s32 @!p0 $0xFFFFF086;
	s6 =	sadd.s32 @!p0 s3, s7;
	s7 =	simm.s32 @!p0 $0x108  }
0x21: {  	s3 =	sadd.s32 s3, s9;
	s6 =	sadd.s32 @!p0 $0x88, s6;
	s7 =	simm.s32 @p2 $0x1082  }
0x22: {  	[simem:s7], [sflag:s8] =	dma.local @!p0 [hbm:s6], $0xF7A  }
0x23: {  	s9 =	sor.u32 $0xD0000000, s2;
	s6 =	simm.s32 $0x108;
	_ =	swait.ge @!p0 [sflag:s8], $0x0  }
0x24: {  	s3 =	sadd.s32 $0x88, s3;
	s6 =	simm.s32 @!p1 $0x1082;
	[sflag:s4] =	ssyncset.s32 $0xFFFFF086  }
0x25: {  	[simem:s6], [sflag:s4] =	dma.local [hbm:s3], $0xF7A  }
0x26: {  	[smem:$0x3F9B] =	sst s1;
	(tag) =	ssettag s2;
	_ =	strace s9  }
0x27: {  	s1 =	sld [smem:$0x3FAB]  }
0x28: {  	s2 =	sld [smem:$0x3FAC]  }
0x29: {  	s4 =	sld [smem:$0x3FAE]  }
0x2a: {  	p0 =	seq.s32 s5, $0x0;
	s5 =	sld [smem:$0x3FAF]  }
0x2b: {  	s6 =	sld [smem:$0x3FB0]  }
0x2c: {  	s7 =	sld [smem:$0x3FB1]  }
0x2d: {  	s3 =	simm.s32 $0x108;
	s8 =	sld [smem:$0x3FB2]  }
0x2e: {  	s3 =	simm.s32 @!p0 $0x1082;
	s9 =	sld [smem:$0x3FB3]  }
0x2f: {  	lr =	sadd.s32 s0, s3;
	s0 =	sld [smem:$0x3FAA]  }
0x30: {  	s3 =	sld [smem:$0x3FAD]  }
0x31: {  	[smem:$0x3FB6] =	sst s10  }
0x32: {  	s10 =	sld [smem:$0x3FB4];
	_ =	sdelay $0x3  }
0x33: {  	p0 =	seq.s32 s10, $0x1;
	s10 =	sld [smem:$0x3FB6];
	_ =	sdelay $0x3  }
0x34: {  	[smem:$0x3FB6] =	sst s10  }
0x35: {  	s10 =	sld [smem:$0x3FB5];
	_ =	sdelay $0x3  }
0x36: {  	p1 =	seq.s32 s10, $0x1;
	s10 =	sld [smem:$0x3FB6];
	_ =	sdelay $0x3  }
0x37: {  	[smem:$0x3FB6] =	sst s10  }
0x38: {  	s10 =	sld [smem:$0x3FB7]  }
0x39: {  	_ = 	snop;
	(pc) =	sbr.ind lr, $3  }
0x3a: {  	_ = 	snop  }
0x3b: {  	_ = 	snop  }
0x3c: {  	p2 =	seq.s32 s10, $0x1;
	s10 =	sld [smem:$0x3FB6]  }
0x3d: {  	_ =	shalt  }
0x3e: {  	_ =	shalt  }
0x3f: {  	_ =	shalt  }
0x40: {  	_ =	shalt  }
0x41: {  	_ =	shalt  }
0x42: {  	_ =	shalt  }
0x43: {  	_ =	shalt  }
0x44: {  	_ =	shalt  }
0x45: {  	_ =	shalt  }
0x46: {  	_ =	shalt  }
0x47: {  	_ =	shalt  }
0x48: {  	_ =	shalt  }
0x49: {  	_ =	shalt  }
0x4a: {  	_ =	shalt  }
0x4b: {  	_ =	shalt  }
0x4c: {  	_ =	shalt  }
0x4d: {  	_ =	shalt  }
0x4e: {  	_ =	shalt  }
0x4f: {  	_ =	shalt  }
0x50: {  	_ =	shalt  }
0x51: {  	_ =	shalt  }
0x52: {  	_ =	shalt  }
0x53: {  	_ =	shalt  }
0x54: {  	_ =	shalt  }
0x55: {  	_ =	shalt  }
0x56: {  	_ =	shalt  }
0x57: {  	_ =	shalt  }
0x58: {  	_ =	shalt  }
0x59: {  	_ =	shalt  }
0x5a: {  	_ =	shalt  }
0x5b: {  	_ =	shalt  }
0x5c: {  	_ =	shalt  }
0x5d: {  	_ =	shalt  }
0x5e: {  	_ =	shalt  }
0x5f: {  	_ =	shalt  }
0x60: {  	_ =	shalt  }
0x61: {  	_ =	shalt  }
0x62: {  	_ =	shalt  }
0x63: {  	_ =	shalt  }
0x64: {  	_ =	shalt  }
0x65: {  	_ =	shalt  }
0x66: {  	_ =	shalt  }
0x67: {  	_ =	shalt  }
0x68: {  	_ =	shalt  }
0x69: {  	_ =	shalt  }
0x6a: {  	_ =	shalt  }
0x6b: {  	_ =	shalt  }
0x6c: {  	_ =	shalt  }
0x6d: {  	_ =	shalt  }
0x6e: {  	_ =	shalt  }
0x6f: {  	_ =	shalt  }
0x70: {  	_ =	shalt  }
0x71: {  	_ =	shalt  }
0x72: {  	_ =	shalt  }
0x73: {  	_ =	shalt  }
0x74: {  	_ =	shalt  }
0x75: {  	_ =	shalt  }
0x76: {  	_ =	shalt  }
0x77: {  	_ =	shalt  }
0x78: {  	_ =	shalt  }
0x79: {  	_ =	shalt  }
0x7a: {  	_ =	shalt  }
0x7b: {  	_ =	shalt  }
0x7c: {  	_ =	shalt  }
0x7d: {  	_ =	shalt  }
0x7e: {  	_ =	shalt  }
0x7f: {  	_ =	shalt  }
0x80: {  	_ =	shalt  }
0x81: {  	_ =	shalt  }
0x82: {  	_ =	shalt  }
0x83: {  	_ =	shalt  }
0x84: {  	_ =	shalt  }
0x85: {  	_ =	shalt  }
0x86: {  	_ =	shalt  }
0x87: {  	_ =	shalt  }
.Lfunc_end0:
.L_simem_size_0:
called_computation_lowered:
.L_overlay_start_0:
0x88: {  	s2 =	sld [smem:$0x3FD9]  }
0x89: {  	s3 =	sld [smem:$0x3FFE];
	_ =	sdelay $0x1  }
0x8a: {  	s1 =	srdreg.scid  }
0x8b: {  	s0 =	sand.u32 $0x1, s1  }
0x8c: {  	s14 =	sshll.u32 s0, $0xA;
	s2 =	sadd.s32 s3, s2  }
0x8d: {  	s2 =	sadd.s32 s2, s14  }
0x8e: {  	[smem:$0x3FC2] =	sst s2  }
0x8f: {  	_ = 	snop  }
0x90: {  	s2 =	sld [smem:$0x3FD0];
	_ =	sdelay $0x2  }
0x91: {  	s4 =	simm.s32 $0xA;
	s5 =	simm.s32 $0x10;
	s15 =	sld [smem:$0x3FC4]  }
0x92: {  	[smem:s5], [sflag:s4] =	dma.local [hbm:s2], $0x1  }
0x93: {  	_ =	swait.eq [sflag:s4], $0x1  }
0x94: {  	[sflag:s4] =	ssyncset.done $0x0  }
0x95: {  	s16 =	sld [smem:$0x10];
	[sflag:s4] =	ssyncadd.s32 $0xFFFFFFFF  }
0x96: {  	s17 =	sld [smem:$0x12];
	(tm) =	ssettm $0x1  }
0x97: {  	s18 =	sld [smem:$0x3FFB];
	_ =	sdelay $0x3  }
0x98: {  	_ =	strace s18  }
0x99: {  	s5 =	sld [smem:$0x3FFC];
	_ =	sdelay $0x3  }
0x9a: {  	_ =	strace s5  }
0x9b: {  	s5 =	sld [smem:$0x3FFD];
	_ =	sdelay $0x3  }
0x9c: {  	_ =	strace s5  }
0x9d: {  	_ =	strace $0x8FFFFFFF  }
0x9e: {  	s19 =	sld [smem:$0x3FDB];
	_ =	sdelay $0x1  }
0x9f: {  	s6 =	simm.s32 $_scs_section_size  }
0xa0: {  	s7 =	simm.s32 $_size__tile_overlayer_lowered;
	s8 =	simm.s32 $_tile_overlayer_lowered  }
0xa1: {  	s22 =	simm.s32 $0x1BFF;
	s21 =	sshll.u32 s8, $0x1;
	s5 =	sadd.s32 s6, s19  }
0xa2: {  	s9 =	simm.s32 $0x0;
	s20 =	sshll.u32 s7, $0x1;
	s7 =	sadd.s32 s21, s5  }
0xa3: {  	[timem:s9], [sflag:s22] =	dma.local [hbm:s7], s20  }
0xa4: {  	_ =	swait.ge [sflag:s22], s20  }
0xa5: {  	s6 =	ssub.s32 $0x0, s20;
	[sflag:s22] =	ssyncset.done $0x0  }
0xa6: {  	[sflag:s22] =	ssyncadd.s32 s6;
	_ =	sdelay $0x1  }
0xa7: {  	s23 =	simm.s32 $0x1B8B  }
0xa8: {  	_ =	swait.ge [sflag:s23], $0x1  }
0xa9: {  	[sflag:s23] =	ssyncset.done $0x0  }
0xaa: {  	s25 =	simm.s32 $0x1B8E;
	s24 =	sld [smem:$0x3FFE];
	[sflag:s23] =	ssyncadd.s32 $0xFFFFFFFF  }
0xab: {  	s26 =	simm.s32 $execute0_lowered;
	[smem:$0x3FD2] =	sst s25  }
0xac: {  	s7 =	sshll.u32 s26, $0x1;
	_ =	strace $0x80000046;
	[dreg:$0x1] =	wrdreg $0xFFFFFFFF  }
0xad: {  	s28 =	simm.s32 $_size_execute0_lowered;
	s5 =	sadd.s32 s5, s7;
	[dreg:$0x0] =	wrdreg $0x0  }
0xae: {  	s7 =	sshll.u32 s28, $0x1;
	[dreg:$0x2] =	wrdreg s5  }
0xaf: {  	[dreg:$0x3] =	wrdreg s7  }
0xb0: {  	[dreg:$0x4] =	wrdreg $0xC0  }
0xb1: {  	_ =	task [dreg:s9], $0x5FFFF  }
0xb2: {  	[dreg:$0x1] =	wrdreg $0xFFFFFFFF  }
0xb3: {  	[dreg:$0x0] =	wrdreg $0x60  }
0xb4: {  	[dreg:$0x2] =	wrdreg s24  }
0xb5: {  	[dreg:$0x3] =	wrdreg s15  }
0xb6: {  	[dreg:$0x4] =	wrdreg s17  }
0xb7: {  	[dreg:$0x5] =	wrdreg s16  }
0xb8: {  	[dreg:$0x6] =	wrdreg $0x9  }
0xb9: {  	_ =	task.clear_ibuf [dreg:s9], $0x7FFFF;
	_ =	strace $0x90000046  }
0xba: {  	s29 =	simm.s32 $0x9;
	_ =	strace $0x80000048  }
0xbb: {  	_ =	swait.ge [sflag:s29], $0x1  }
0xbc: {  	[sflag:s29] =	ssyncadd.s32 $0xFFFFFFFF  }
0xbd: {  	_ =	strace $0x90000048  }
0xbe: {  	_ =	sfence  }
0xbf: {  	s30 =	sld [smem:$0x0];
	_ =	sdelay $0x2  }
0xc0: {  	s31 =	sshll.u32 s1, $0xD;
	s1 =	sshrl.u32 s1, $0x2  }
0xc1: {  	s3 =	sand.u32 $0x4000, s31;
	s1 =	sadd.s32 s1, s30  }
0xc2: {  	s0 =	sor.u32 s3, s0;
	s1 =	sshll.u32 s1, $0x11  }
0xc3: {  	s0 =	sor.u32 s1, s0  }
0xc4: {  	s0 =	sadd.s32 $0x8F2B, s0  }
0xc5: {  	[sflag:s0] =	ssyncadd.remote.s32 $0x1  }
0xc6: {  	_ =	sfence.sel $0xFFFF  }
0xc7: {  	[dreg:$0x0] =	wrdreg $0xFFFFFFFF;
	(pc) =	sbr.abs _section_cstart, $3  }
0xc8: {  	[dreg:$0x1] =	wrdreg $0xFFFFFFFF  }
0xc9: {  	_ =	task.clear_ibuf [dreg:s9], $0x2FFFF;
	_ =	strace $0x9FFFFFFF  }
0xca: {  	(tm) =	ssettm $0x7FFFFFFF  }
0xcb: {  	_ =	shalt  }
tec
execute0_lowered:
.L_overlay_start_1:
0x0: {  	(tag) =	ssettag $0x1  }
0x1: {  	s4 =	rddreg [dreg:$0x0]  }
0x2: {  	s1 =	rddreg [dreg:$0x1]  }
0x3: {  	s9 =	rddreg [dreg:$0x2]  }
0x4: {  	s5 =	rddreg [dreg:$0x3];
	s3 =	simm.s32 $0x0  }
0x5: {  	s12 =	simm.s32 $0xC00;
	[smem:$0x7FF] =	sst s3  }
0x6: {  	s14 =	simm.s32 $0x1400;
	_ =	strace $0x80000047;
	[dreg:$0x6] =	wrdreg s12  }
0x7: {  	s15 =	simm.s32 $0x1C00;
	[dreg:$0x7] =	wrdreg s14  }
0x8: {  	s16 =	simm.s32 $0x2400;
	[dreg:$0x8] =	wrdreg s15  }
0x9: {  	s17 =	simm.s32 $0x2C00;
	[dreg:$0x9] =	wrdreg s16  }
0xa: {  	s18 =	simm.s32 $0xCC00;
	[dreg:$0xa] =	wrdreg s17  }
0xb: {  	s19 =	simm.s32 $0x3C00;
	[dreg:$0xb] =	wrdreg s18  }
0xc: {  	s20 =	simm.s32 $0x4400;
	[dreg:$0xc] =	wrdreg s19  }
0xd: {  	s6 =	srdreg.scid;
	s21 =	simm.s32 $0x4C00;
	[dreg:$0xd] =	wrdreg s20  }
0xe: {  	s0 =	stileid.u32;
	s22 =	simm.s32 $0x5400;
	[dreg:$0xe] =	wrdreg s21  }
0xf: {  	s23 =	simm.s32 $0x5C00;
	s24 =	simm.s32 $0x6C00;
	[dreg:$0xf] =	wrdreg s22  }
0x10: {  	s25 =	simm.s32 $0x7400;
	s26 =	simm.s32 $0x7C00;
	[dreg:$0x10] =	wrdreg s23  }
0x11: {  	s29 =	simm.s32 $0x8400;
	s30 =	simm.s32 $0x8C00;
	[dreg:$0x12] =	wrdreg s24  }
0x12: {  	s31 =	simm.s32 $0xEC00;
	s28 =	simm.s32 $0x0;
	[dreg:$0x13] =	wrdreg s25  }
0x13: {  	s6 =	sand.u32 $0x1, s6;
	s7 =	sshll.u32 s0, $0x10;
	[dreg:$0x14] =	wrdreg s26  }
0x14: {  	s13 =	sshll.u32 s0, $0xB;
	s5 =	sadd.s32 s7, s5;
	[dreg:$0x15] =	wrdreg s29  }
0x15: {  	s11 =	sshll.u32 s6, $0xF;
	s8 =	sshll.u32 s6, $0xA;
	[dreg:$0x16] =	wrdreg s30  }
0x16: {  	s6 =	ssub.s32 $0x2, s6;
	[dreg:$0x17] =	wrdreg s31;
	s14 =	simm.s32 $0xA400  }
0x17: {  	s15 =	simm.s32 $0xAC00;
	s16 =	simm.s32 $0xB400;
	s17 =	simm.s32 $0xBC00  }
0x18: {  	s19 =	simm.s32 $0xFC00;
	s18 =	simm.s32 $0xF400;
	s20 =	simm.s32 $0x5  }
0x19: {  	s21 =	simm.s32 $0x2;
	s22 =	simm.s32 $0x6;
	s23 =	simm.s32 $0x3  }
0x1a: {  	s24 =	simm.s32 $0x7;
	s25 =	simm.s32 $0x4;
	s26 =	simm.s32 $0x8  }
0x1b: {  	s5 =	sadd.s32 s11, s5;
	s7 =	sor.u32 s8, s13;
	[dreg:$0x19] =	wrdreg s14  }
0x1c: {  	s10 =	sshrl.u32 s6, $0x1;
	s11 =	simm.s32 $0xDC00;
	[dreg:$0x1a] =	wrdreg s15  }
0x1d: {  	s13 =	simm.s32 $0x9C00;
	s14 =	simm.s32 $0xD400;
	[dreg:$0x1b] =	wrdreg s16  }
0x1e: {  	s15 =	simm.s32 $0x6400;
	s16 =	simm.s32 $0xE400;
	[dreg:$0x1c] =	wrdreg s17  }
0x1f: {  	s17 =	simm.s32 $0x9400;
	[dreg:$0x1d] =	wrdreg s19;
	s19 =	simm.s32 $0x1  }
0x20: {  	[dreg:$0x5] =	wrdreg s5;
	s8 =	sshrl.u32 s7, $0x3;
	s10 =	ssub.s32 s6, s10  }
0x21: {  	s6 =	sadd.s32 $0x100, s1;
	[dreg:$0x11] =	wrdreg s11;
	s11 =	simm.s32 $0x400  }
0x22: {  	[dreg:$0x18] =	wrdreg s13;
	s13 =	simm.s32 $0x3400;
	s12 =	smul.u32 $0x300, s8  }
0x23: {  	v2 =	vlaneseq.u32;
	s7 =	sadd.s32 s8, s4;
	s4 =	sadd.s32 $0xC00, s4;
	s8 =	smax.u32 s10, $0x1  }
0x24: {  	vm0 =	vmmov $0xffff;
	v1 =	vshrl.u32 v2, $0x3;
	s10 =	simm.s32 $0x9;
	s5 =	sadd.s32 $0x20C00, s7;
	s9 =	sadd.s32 s12, s9  }
0x25: {  	v0 =	vand.u32 $0x7, v2;
	v2 =	vor.u32 $0x8, v2;
	v1 =	vmul.u32 $0x8, v1;
	s7 =	sadd.s32 $0x200, s1;
	s12 =	simm.s32 $0xC400;
	s9 =	sadd.s32 $0x1200, s9  }
.LBB2_1:
0x26: {  	[tilespmem:s3], [sflag:$0x9] =	stream.linear.gather [hbm4b:s5+s3], $0x400, $0x38;
	[tilespmem:$0x10400] =	vst v63  }
0x27: {  	_ =	swait.ge [sflag:s10], $0x400  }
0x28: {  	s29 =	simm.s32 $0x20;
	[sflag:s10] =	ssyncset.done $0x0  }
0x29: {  	s30 =	smov.u32 s9;
	s31 =	simm.s32 $0x0;
	[sflag:s10] =	ssyncadd.s32 $0xFFFFFC00  }
.LBB2_2:
0x2a: {  	v3 =	vld [tilespmem:s29+$0xFFFFFFE0];
	_ =	sdelay $0x4  }
0x2b: {  	v4 =	vshrl.u32 v3, $0x3  }
0x2c: {  	v4 =	vmul.u32 $0x30, v4  }
0x2d: {  	v3 =	vand.u32 $0x7, v3  }
0x2e: {  	v3 =	vor.u32 v3, v4  }
0x2f: {  	v4 =	vperm.xlane v3, v0;
	_ =	sdelay $0x1  }
0x30: {  	v4 =	vadd.s32 v1, v4;
	_ =	sdelay $0x3  }
0x31: {  	v3 =	vperm.xlane v3, v2  }
0x32: {  	[tilespmem:s11], [sflag:$0x1] =	stream.indirect_vreg.gather [hbm4b:s1+s3], $0x80, v4, vm0, $0xb8;
	[tilespmem:$0x10400] =	vst v63  }
0x33: {  	s0 =	rddreg [dreg:$0x6];
	v3 =	vadd.s32 v1, v3  }
0x34: {  	[tilespmem:s0], [sflag:$0x1] =	stream.indirect_vreg.gather [hbm4b:s6+s3], $0x80, v4, vm0, $0xb8;
	[tilespmem:$0x10400] =	vst v63  }
0x35: {  	s2 =	rddreg [dreg:$0x7]  }
0x36: {  	[tilespmem:s2], [sflag:$0x1] =	stream.indirect_vreg.gather [hbm4b:s7+s3], $0x80, v4, vm0, $0xb8;
	[tilespmem:$0x10400] =	vst v63  }
0x37: {  	s0 =	rddreg [dreg:$0x8]  }
0x38: {  	[tilespmem:s0], [sflag:$0x1] =	stream.indirect_vreg.gather [hbm4b:s1+s3], $0x80, v3, vm0, $0xb8;
	[tilespmem:$0x10400] =	vst v63  }
0x39: {  	s2 =	rddreg [dreg:$0x9]  }
0x3a: {  	[tilespmem:s2], [sflag:$0x1] =	stream.indirect_vreg.gather [hbm4b:s6+s3], $0x80, v3, vm0, $0xb8;
	[tilespmem:$0x10400] =	vst v63  }
0x3b: {  	s0 =	rddreg [dreg:$0xa]  }
0x3c: {  	[tilespmem:s0], [sflag:$0x1] =	stream.indirect_vreg.gather [hbm4b:s7+s3], $0x80, v3, vm0, $0xb8;
	[tilespmem:$0x10400] =	vst v63  }
0x3d: {  	v3 =	vld [tilespmem:s29+$0xFFFFFFE0];
	_ =	sdelay $0x4  }
0x3e: {  	v57 =	vshll.u32 v3, $0x1  }
0x3f: {  	v3 =	vand.u32 $0x7, v3;
	v4 =	vand.u32 $0xFFFFFFF0, v57  }
0x40: {  	v3 =	vor.u32 v3, v4  }
0x41: {  	v4 =	vperm.xlane v3, v0;
	_ =	sdelay $0x1  }
0x42: {  	v3 =	vperm.xlane v3, v2;
	v4 =	vadd.s32 v1, v4;
	_ =	sdelay $0x1  }
0x43: {  	v3 =	vadd.s32 v1, v3;
	_ =	sdelay $0x2  }
0x44: {  	[tilespmem:s12], [sflag:$0x5] =	stream.indirect_vreg.gather [hbm4b:s4+s3], $0x80, v4, vm0, $0xb8;
	[tilespmem:$0x10400] =	vst v63  }
0x45: {  	s2 =	rddreg [dreg:$0xb]  }
0x46: {  	[tilespmem:s2], [sflag:$0x5] =	stream.indirect_vreg.gather [hbm4b:s4+s3], $0x80, v3, vm0, $0xb8;
	[tilespmem:$0x10400] =	vst v63  }
0x47: {  	v3 =	vld [tilespmem:s29+$0xFFFFFFF0];
	_ =	sdelay $0x4  }
0x48: {  	v58 =	vshrl.u32 v3, $0x3  }
0x49: {  	v4 =	vmul.u32 $0x30, v58  }
0x4a: {  	v3 =	vand.u32 $0x7, v3  }
0x4b: {  	v3 =	vor.u32 v3, v4  }
0x4c: {  	v4 =	vperm.xlane v3, v0;
	_ =	sdelay $0x1  }
0x4d: {  	v4 =	vadd.s32 v1, v4;
	_ =	sdelay $0x3  }
0x4e: {  	v3 =	vperm.xlane v3, v2  }
0x4f: {  	[tilespmem:s13], [sflag:$0x2] =	stream.indirect_vreg.gather [hbm4b:s1+s3], $0x80, v4, vm0, $0xb8;
	[tilespmem:$0x10400] =	vst v63  }
0x50: {  	s0 =	rddreg [dreg:$0xc];
	v3 =	vadd.s32 v1, v3  }
0x51: {  	[tilespmem:s0], [sflag:$0x2] =	stream.indirect_vreg.gather [hbm4b:s6+s3], $0x80, v4, vm0, $0xb8;
	[tilespmem:$0x10400] =	vst v63  }
0x52: {  	s2 =	rddreg [dreg:$0xd]  }
0x53: {  	[tilespmem:s2], [sflag:$0x2] =	stream.indirect_vreg.gather [hbm4b:s7+s3], $0x80, v4, vm0, $0xb8;
	[tilespmem:$0x10400] =	vst v63  }
0x54: {  	s0 =	rddreg [dreg:$0xe]  }
0x55: {  	[tilespmem:s0], [sflag:$0x2] =	stream.indirect_vreg.gather [hbm4b:s1+s3], $0x80, v3, vm0, $0xb8;
	[tilespmem:$0x10400] =	vst v63  }
0x56: {  	s2 =	rddreg [dreg:$0xf]  }
0x57: {  	[tilespmem:s2], [sflag:$0x2] =	stream.indirect_vreg.gather [hbm4b:s6+s3], $0x80, v3, vm0, $0xb8;
	[tilespmem:$0x10400] =	vst v63  }
0x58: {  	s0 =	rddreg [dreg:$0x10]  }
0x59: {  	[tilespmem:s0], [sflag:$0x2] =	stream.indirect_vreg.gather [hbm4b:s7+s3], $0x80, v3, vm0, $0xb8;
	[tilespmem:$0x10400] =	vst v63  }
0x5a: {  	v3 =	vld [tilespmem:s29+$0xFFFFFFF0];
	_ =	sdelay $0x4  }
0x5b: {  	v59 =	vshll.u32 v3, $0x1  }
0x5c: {  	v3 =	vand.u32 $0x7, v3;
	v4 =	vand.u32 $0xFFFFFFF0, v59  }
0x5d: {  	v3 =	vor.u32 v3, v4  }
0x5e: {  	v4 =	vperm.xlane v3, v0;
	_ =	sdelay $0x1  }
0x5f: {  	v3 =	vperm.xlane v3, v2;
	v4 =	vadd.s32 v1, v4;
	_ =	sdelay $0x1  }
0x60: {  	v3 =	vadd.s32 v1, v3;
	_ =	sdelay $0x2  }
0x61: {  	[tilespmem:s14], [sflag:$0x6] =	stream.indirect_vreg.gather [hbm4b:s4+s3], $0x80, v4, vm0, $0xb8;
	[tilespmem:$0x10400] =	vst v63  }
0x62: {  	s2 =	rddreg [dreg:$0x11]  }
0x63: {  	[tilespmem:s2], [sflag:$0x6] =	stream.indirect_vreg.gather [hbm4b:s4+s3], $0x80, v3, vm0, $0xb8;
	[tilespmem:$0x10400] =	vst v63  }
0x64: {  	v3 =	vld [tilespmem:s29+$0x0];
	_ =	sdelay $0x4  }
0x65: {  	v60 =	vshrl.u32 v3, $0x3  }
0x66: {  	v4 =	vmul.u32 $0x30, v60  }
0x67: {  	v3 =	vand.u32 $0x7, v3  }
0x68: {  	v3 =	vor.u32 v3, v4  }
0x69: {  	v4 =	vperm.xlane v3, v0;
	_ =	sdelay $0x1  }
0x6a: {  	v4 =	vadd.s32 v1, v4;
	_ =	sdelay $0x3  }
0x6b: {  	v3 =	vperm.xlane v3, v2  }
0x6c: {  	[tilespmem:s15], [sflag:$0x3] =	stream.indirect_vreg.gather [hbm4b:s1+s3], $0x80, v4, vm0, $0xb8;
	[tilespmem:$0x10400] =	vst v63  }
0x6d: {  	s0 =	rddreg [dreg:$0x12];
	v3 =	vadd.s32 v1, v3  }
0x6e: {  	[tilespmem:s0], [sflag:$0x3] =	stream.indirect_vreg.gather [hbm4b:s6+s3], $0x80, v4, vm0, $0xb8;
	[tilespmem:$0x10400] =	vst v63  }
0x6f: {  	s2 =	rddreg [dreg:$0x13]  }
0x70: {  	[tilespmem:s2], [sflag:$0x3] =	stream.indirect_vreg.gather [hbm4b:s7+s3], $0x80, v4, vm0, $0xb8;
	[tilespmem:$0x10400] =	vst v63  }
0x71: {  	s0 =	rddreg [dreg:$0x14]  }
0x72: {  	[tilespmem:s0], [sflag:$0x3] =	stream.indirect_vreg.gather [hbm4b:s1+s3], $0x80, v3, vm0, $0xb8;
	[tilespmem:$0x10400] =	vst v63  }
0x73: {  	s2 =	rddreg [dreg:$0x15]  }
0x74: {  	[tilespmem:s2], [sflag:$0x3] =	stream.indirect_vreg.gather [hbm4b:s6+s3], $0x80, v3, vm0, $0xb8;
	[tilespmem:$0x10400] =	vst v63  }
0x75: {  	s0 =	rddreg [dreg:$0x16]  }
0x76: {  	[tilespmem:s0], [sflag:$0x3] =	stream.indirect_vreg.gather [hbm4b:s7+s3], $0x80, v3, vm0, $0xb8;
	[tilespmem:$0x10400] =	vst v63  }
0x77: {  	v3 =	vld [tilespmem:s29+$0x0];
	_ =	sdelay $0x4  }
0x78: {  	v61 =	vshll.u32 v3, $0x1  }
0x79: {  	v3 =	vand.u32 $0x7, v3;
	v4 =	vand.u32 $0xFFFFFFF0, v61  }
0x7a: {  	v3 =	vor.u32 v3, v4  }
0x7b: {  	v4 =	vperm.xlane v3, v0;
	_ =	sdelay $0x1  }
0x7c: {  	v3 =	vperm.xlane v3, v2;
	v4 =	vadd.s32 v1, v4;
	_ =	sdelay $0x1  }
0x7d: {  	v3 =	vadd.s32 v1, v3;
	_ =	sdelay $0x2  }
0x7e: {  	[tilespmem:s16], [sflag:$0x7] =	stream.indirect_vreg.gather [hbm4b:s4+s3], $0x80, v4, vm0, $0xb8;
	[tilespmem:$0x10400] =	vst v63  }
0x7f: {  	s2 =	rddreg [dreg:$0x17]  }
0x80: {  	[tilespmem:s2], [sflag:$0x7] =	stream.indirect_vreg.gather [hbm4b:s4+s3], $0x80, v3, vm0, $0xb8;
	[tilespmem:$0x10400] =	vst v63  }
0x81: {  	v3 =	vld [tilespmem:s29+$0x10];
	_ =	sdelay $0x4  }
0x82: {  	v62 =	vshrl.u32 v3, $0x3  }
0x83: {  	v4 =	vmul.u32 $0x30, v62  }
0x84: {  	v3 =	vand.u32 $0x7, v3  }
0x85: {  	v3 =	vor.u32 v3, v4  }
0x86: {  	v4 =	vperm.xlane v3, v0;
	_ =	sdelay $0x1  }
0x87: {  	v4 =	vadd.s32 v1, v4;
	_ =	sdelay $0x3  }
0x88: {  	v3 =	vperm.xlane v3, v2  }
0x89: {  	[tilespmem:s17], [sflag:$0x4] =	stream.indirect_vreg.gather [hbm4b:s1+s3], $0x80, v4, vm0, $0xb8;
	[tilespmem:$0x10400] =	vst v63  }
0x8a: {  	s0 =	rddreg [dreg:$0x18];
	v3 =	vadd.s32 v1, v3  }
0x8b: {  	[tilespmem:s0], [sflag:$0x4] =	stream.indirect_vreg.gather [hbm4b:s6+s3], $0x80, v4, vm0, $0xb8;
	[tilespmem:$0x10400] =	vst v63  }
0x8c: {  	s2 =	rddreg [dreg:$0x19]  }
0x8d: {  	[tilespmem:s2], [sflag:$0x4] =	stream.indirect_vreg.gather [hbm4b:s7+s3], $0x80, v4, vm0, $0xb8;
	[tilespmem:$0x10400] =	vst v63  }
0x8e: {  	s0 =	rddreg [dreg:$0x1a]  }
0x8f: {  	[tilespmem:s0], [sflag:$0x4] =	stream.indirect_vreg.gather [hbm4b:s1+s3], $0x80, v3, vm0, $0xb8;
	[tilespmem:$0x10400] =	vst v63  }
0x90: {  	s2 =	rddreg [dreg:$0x1b]  }
0x91: {  	[tilespmem:s2], [sflag:$0x4] =	stream.indirect_vreg.gather [hbm4b:s6+s3], $0x80, v3, vm0, $0xb8;
	[tilespmem:$0x10400] =	vst v63  }
0x92: {  	s0 =	rddreg [dreg:$0x1c]  }
0x93: {  	[tilespmem:s0], [sflag:$0x4] =	stream.indirect_vreg.gather [hbm4b:s7+s3], $0x80, v3, vm0, $0xb8;
	[tilespmem:$0x10400] =	vst v63  }
0x94: {  	v3 =	vld [tilespmem:s29+$0x10];
	_ =	sdelay $0x4  }
0x95: {  	v63 =	vshll.u32 v3, $0x1  }
0x96: {  	v3 =	vand.u32 $0x7, v3;
	v4 =	vand.u32 $0xFFFFFFF0, v63  }
0x97: {  	v3 =	vor.u32 v3, v4  }
0x98: {  	v4 =	vperm.xlane v3, v0;
	_ =	sdelay $0x1  }
0x99: {  	v3 =	vperm.xlane v3, v2;
	v4 =	vadd.s32 v1, v4;
	_ =	sdelay $0x1  }
0x9a: {  	v3 =	vadd.s32 v1, v3;
	_ =	sdelay $0x2  }
0x9b: {  	[tilespmem:s18], [sflag:$0x8] =	stream.indirect_vreg.gather [hbm4b:s4+s3], $0x80, v4, vm0, $0xb8;
	[tilespmem:$0x10400] =	vst v63  }
0x9c: {  	s2 =	rddreg [dreg:$0x1d]  }
0x9d: {  	[tilespmem:s2], [sflag:$0x8] =	stream.indirect_vreg.gather [hbm4b:s4+s3], $0x80, v3, vm0, $0xb8;
	[tilespmem:$0x10400] =	vst v63  }
0x9e: {  	_ =	swait.ge [sflag:s19], $0x3000  }
0x9f: {  	[sflag:s19] =	ssyncset.done $0x0  }
0xa0: {  	[sflag:s19] =	ssyncadd.s32 $0xFFFFD000  }
0xa1: {  	_ =	swait.ge [sflag:s20], $0x1000  }
0xa2: {  	[sflag:s20] =	ssyncset.done $0x0  }
0xa3: {  	s2 =	sadd.s32 $0xFFFFEE00, s30;
	[sflag:s20] =	ssyncadd.s32 $0xFFFFF000  }
0xa4: {  	[hbm4b:s2+s3] =	stream.linear.scatter [tilespmem:s11], [sflag:$0x9], $0x3000, $0x38;
	[tilespmem:$0x10400] =	vst v63  }
0xa5: {  	_ =	swait.ge [sflag:s10], $0x3000  }
0xa6: {  	s2 =	rddreg [dreg:$0x5];
	[sflag:s10] =	ssyncset.done $0x0  }
0xa7: {  	[sflag:s10] =	ssyncadd.s32 $0xFFFFD000;
	s0 =	sadd.s32 s31, s2  }
0xa8: {  	[hbm4b:s0+s3] =	stream.linear.scatter [tilespmem:s12], [sflag:$0x9], $0x1000, $0x38;
	[tilespmem:$0x10400] =	vst v63  }
0xa9: {  	_ =	swait.ge [sflag:s10], $0x1000  }
0xaa: {  	[sflag:s10] =	ssyncset.done $0x0  }
0xab: {  	[sflag:s10] =	ssyncadd.s32 $0xFFFFF000  }
0xac: {  	_ =	swait.ge [sflag:s21], $0x3000  }
0xad: {  	[sflag:s21] =	ssyncset.done $0x0  }
0xae: {  	[sflag:s21] =	ssyncadd.s32 $0xFFFFD000  }
0xaf: {  	_ =	swait.ge [sflag:s22], $0x1000  }
0xb0: {  	[sflag:s22] =	ssyncset.done $0x0  }
0xb1: {  	s2 =	sadd.s32 $0xFFFFF400, s30;
	[sflag:s22] =	ssyncadd.s32 $0xFFFFF000  }
0xb2: {  	[hbm4b:s2+s3] =	stream.linear.scatter [tilespmem:s13], [sflag:$0x9], $0x3000, $0x38;
	[tilespmem:$0x10400] =	vst v63  }
0xb3: {  	_ =	swait.ge [sflag:s10], $0x3000  }
0xb4: {  	[sflag:s10] =	ssyncset.done $0x0  }
0xb5: {  	s2 =	sadd.s32 $0x200, s0;
	[sflag:s10] =	ssyncadd.s32 $0xFFFFD000  }
0xb6: {  	[hbm4b:s2+s3] =	stream.linear.scatter [tilespmem:s14], [sflag:$0x9], $0x1000, $0x38;
	[tilespmem:$0x10400] =	vst v63  }
0xb7: {  	_ =	swait.ge [sflag:s10], $0x1000  }
0xb8: {  	[sflag:s10] =	ssyncset.done $0x0  }
0xb9: {  	[sflag:s10] =	ssyncadd.s32 $0xFFFFF000  }
0xba: {  	_ =	swait.ge [sflag:s23], $0x3000  }
0xbb: {  	[sflag:s23] =	ssyncset.done $0x0  }
0xbc: {  	[sflag:s23] =	ssyncadd.s32 $0xFFFFD000  }
0xbd: {  	_ =	swait.ge [sflag:s24], $0x1000  }
0xbe: {  	[sflag:s24] =	ssyncset.done $0x0  }
0xbf: {  	s2 =	sadd.s32 $0xFFFFFA00, s30;
	[sflag:s24] =	ssyncadd.s32 $0xFFFFF000  }
0xc0: {  	[hbm4b:s2+s3] =	stream.linear.scatter [tilespmem:s15], [sflag:$0x9], $0x3000, $0x38;
	[tilespmem:$0x10400] =	vst v63  }
0xc1: {  	_ =	swait.ge [sflag:s10], $0x3000  }
0xc2: {  	[sflag:s10] =	ssyncset.done $0x0  }
0xc3: {  	s2 =	sadd.s32 $0x400, s0;
	[sflag:s10] =	ssyncadd.s32 $0xFFFFD000  }
0xc4: {  	[hbm4b:s2+s3] =	stream.linear.scatter [tilespmem:s16], [sflag:$0x9], $0x1000, $0x38;
	[tilespmem:$0x10400] =	vst v63  }
0xc5: {  	_ =	swait.ge [sflag:s10], $0x1000  }
0xc6: {  	[sflag:s10] =	ssyncset.done $0x0  }
0xc7: {  	[sflag:s10] =	ssyncadd.s32 $0xFFFFF000  }
0xc8: {  	_ =	swait.ge [sflag:s25], $0x3000  }
0xc9: {  	[sflag:s25] =	ssyncset.done $0x0  }
0xca: {  	[sflag:s25] =	ssyncadd.s32 $0xFFFFD000  }
0xcb: {  	_ =	swait.ge [sflag:s26], $0x1000  }
0xcc: {  	[sflag:s26] =	ssyncset.done $0x0  }
0xcd: {  	[sflag:s26] =	ssyncadd.s32 $0xFFFFF000  }
0xce: {  	[hbm4b:s30+s3] =	stream.linear.scatter [tilespmem:s17], [sflag:$0x9], $0x3000, $0x38;
	[tilespmem:$0x10400] =	vst v63  }
0xcf: {  	_ =	swait.ge [sflag:s10], $0x3000  }
0xd0: {  	p0 =	sne.s32 s31, $0x7800;
	[sflag:s10] =	ssyncset.done $0x0  }
.Ltmp0:
0xd1: {  	s0 =	sadd.s32 $0x600, s0;
	[sflag:s10] =	ssyncadd.s32 $0xFFFFD000;
	(pc) =	sbr.rel @p0 .LBB2_2-.Ltmp0, $4  }
0xd2: {  	[hbm4b:s0+s3] =	stream.linear.scatter [tilespmem:s18], [sflag:$0x9], $0x1000, $0x38;
	[tilespmem:$0x10400] =	vst v63  }
0xd3: {  	_ =	swait.ge [sflag:s10], $0x1000  }
0xd4: {  	s29 =	sadd.s32 $0x40, s29;
	[sflag:s10] =	ssyncset.done $0x0  }
0xd5: {  	s31 =	sadd.s32 $0x800, s31;
	s30 =	sadd.s32 $0x1800, s30;
	[sflag:s10] =	ssyncadd.s32 $0xFFFFF000  }
0xd6: {  	s28 =	sadd.s32 $0x1, s28  }
0xd7: {  	p0 =	sne.s32 s28, s8  }
.Ltmp1:
0xd8: {  	_ = 	snop;
	(pc) =	sbr.rel @p0 .LBB2_1-.Ltmp1, $1  }
0xd9: {  	_ =	sdelay $0x3  }
0xda: {  	_ =	sfence.sel $0x180000  }
0xdb: {  	[bflag:$0x0] =	sbarrier.arrive $0xFFFF  }
0xdc: {  	_ =	strace $0x90000047  }
0xdd: {  	s0 =	stileid.u32;
	[bflag:$0x2] =	sbarrier.arrive $0xFFFF  }
0xde: {  	p0 =	sne.s32 s0, $0x0;
	s0 =	rddreg [dreg:$0x4]  }
0xdf: {  	s0 =	sadd.s32 @!p0 $0x100000, s0  }
0xe0: {  	[sflag:s0] =	ssyncadd.tile.s32 @!p0 $0x1;
	_ =	shalt  }
.Lfunc_end2:
_tile_overlayer_lowered:
.L_overlay_start_2:
0xe1: {  	(tag) =	ssettag $0x2  }
0xe2: {  	s0 =	rddreg [dreg:$0x0];
	s2 =	stileid.u32  }
0xe3: {  	s1 =	rddreg [dreg:$0x1];
	p0 =	sne.s32 s2, $0x0  }
0xe4: {  	s3 =	rddreg [dreg:$0x2];
	[bflag:$0x3] =	sbarrier.arrive $0xFFFF;
	s2 =	simm.s32 @!p0 $0x1C09  }
0xe5: {  	[timem:s3], [sflag:s2] =	dma.local @!p0 [hbm:s0], s1  }
0xe6: {  	s0 =	simm.s32 @!p0 $0x9  }
0xe7: {  	_ =	swait.ge @!p0 [sflag:s0], s1  }
0xe8: {  	s1 =	ssub.s32 @!p0 $0x0, s1;
	[sflag:s0] =	ssyncset.done @!p0 $0x0  }
0xe9: {  	[sflag:s0] =	ssyncadd.s32 @!p0 s1  }
0xea: {  	[bflag:$0x3] =	sbarrier.arrive $0xFFFF  }
0xeb: {  	_ =	shalt  }

</sc_bundles>
